<compile_context>
chip_gen: v7x
topology: tpu7x:2x2x1
jax: 0.10.2.dev20260603
libtpu: 0.0.44.dev20260713+nightly
codegen_flags: <defaults>
</compile_context>

<pallas_src>
import functools
import operator

import jax
import jax.numpy as jnp
from jax import lax
from jax.experimental import pallas as pl
from jax.experimental.pallas import tpu as pltpu
from jax.experimental.pallas import tpu_sc as plsc

B = 32
S = 128
V = 128
D = 18432
NB = B * S
NC = 2
NS = 16
NW = NC * NS
L = 16
OWN = V // NW
NCHUNK = NB // L
MAXQ = 32

_mesh = plsc.VectorSubcoreMesh(core_axis_name="c", subcore_axis_name="s")


@functools.partial(
    pl.kernel,
    out_type=jax.ShapeDtypeStruct((NB, D), jnp.float32),
    mesh=_mesh,
    scratch_types=[
        pltpu.VMEM((NB,), jnp.int32),
        pltpu.VMEM((OWN, D), jnp.float32),
        pltpu.SemaphoreType.DMA,
        pltpu.SemaphoreType.DMA,
    ],
)
def _sc_scatter(idx_hbm, table_hbm, out_hbm, idx_v, cache, gsem, ssem):
    wid = lax.axis_index("s") * NC + lax.axis_index("c")
    lo = wid * OWN

    pltpu.async_copy(table_hbm.at[pl.ds(lo, OWN)], cache, gsem)
    pltpu.sync_copy(idx_hbm, idx_v)
    pltpu.make_async_copy(
        table_hbm.at[pl.ds(lo, OWN)], cache, gsem).wait()

    def wait_one(i, carry):
        pltpu.make_async_copy(
            cache.at[pl.ds(0, 1)], out_hbm.at[pl.ds(0, 1)], ssem).wait()
        return carry

    def chunk_body(ch, n_inflight):
        vidx = idx_v[pl.ds(ch * L, L)]
        ivs = [vidx[l] for l in range(L)]
        ms = [(iv >= lo) & (iv < lo + OWN) for iv in ivs]
        any_m = functools.reduce(operator.or_, ms)

        def do_matches(n):
            for l in range(L):
                @pl.when(ms[l] & (n >= MAXQ))
                def _():
                    wait_one(0, 0)

                @pl.when(ms[l])
                def _():
                    pltpu.async_copy(
                        cache.at[pl.ds(ivs[l] - lo, 1)],
                        out_hbm.at[pl.ds(ch * L + l, 1)],
                        ssem)

                n = jnp.where(ms[l], jnp.minimum(n + 1, MAXQ), n)
            return n

        return lax.cond(any_m, do_matches, lambda n: n, n_inflight)

    n_inflight = lax.fori_loop(0, NCHUNK, chunk_body, 0)

    lax.fori_loop(0, n_inflight, wait_one, 0)


def kernel(prefix, emb_table):
    idx = prefix.astype(jnp.int32).reshape(NB)
    out = _sc_scatter(idx, emb_table)
    return out.reshape(B, S, D)

# --- scband reference (transcript-rebuilt; emitter-appended) ---
"""Pipeline reference for scband-prefix-encoder-15453292331039 (READ-ONLY COPY).

The authoritative reference and input builder live on the scoring server;
editing this copy changes nothing except your own understanding.
"""

import jax, jax.numpy as jnp
import numpy as np

PRE_SEQ_LEN = 128
HIDDEN = 768
NUM_LAYERS = 12
OUT_DIM = NUM_LAYERS * 2 * HIDDEN  # 18432
BATCH = 32

def setup_inputs(seed: int = 0) -> dict:
    key = jax.random.key(seed)
    k1, k2 = jax.random.split(key)
    prefix = jax.random.randint(k1, (BATCH, PRE_SEQ_LEN), 0, PRE_SEQ_LEN, dtype=jnp.int64 if jax.config.jax_enable_x64 else jnp.int32)
    # embedding table: nn.Embedding(pre_seq_len, num_layers*2*hidden)
    emb_table = jax.random.normal(k2, (PRE_SEQ_LEN, OUT_DIM), dtype=jnp.float32)
    return {"prefix": prefix, "emb_table": emb_table}

def reference(prefix, emb_table):
    # prefix_projection=False path: past_key_values = embedding(prefix)
    past_key_values = jnp.take(emb_table, prefix, axis=0)
    return past_key_values

if __name__ == "__main__":
    import jax
    _d = setup_inputs()
    print(jax.jit(kernel)(*tuple(_d.values())))

</pallas_src>

<mosaic_0001>
#map = affine_map<(d0, d1) -> (0)>
#map1 = affine_map<(d0, d1) -> (0, 0)>
module attributes {stable_mosaic.version = 14 : i64} {
  func.func @_sc_scatter(%arg0: i32, %arg1: i32, %arg2: memref<4096xi32, #tpu.memory_space<hbm>>, %arg3: memref<128x18432xf32, #tpu.memory_space<hbm>>, %arg4: memref<4096x18432xf32, #tpu.memory_space<hbm>>, %arg5: memref<4096xi32, #tpu.memory_space<vmem>>, %arg6: memref<4x18432xf32, #tpu.memory_space<vmem>>, %arg7: memref<!tpu.dma_semaphore, #tpu.memory_space<semaphore_mem>>, %arg8: memref<!tpu.dma_semaphore, #tpu.memory_space<semaphore_mem>>) attributes {dimension_semantics = [#tpu.dimension_semantics<core_parallel>, #tpu.dimension_semantics<subcore_parallel>], iteration_bounds = array<i64: 2, 16>, scalar_prefetch = 0 : i64, scratch_operands = 4 : i64, tpu.core_type = #tpu.core_type<sc_vector_subcore>, window_params = [{transform_indices = #map}, {transform_indices = #map1}, {transform_indices = #map1}]} {
    %mul3A = arith.constant 2 : i32
    %mul3A_0 = arith.muli %arg1, %mul3A : i32
    %add3A = arith.addi %mul3A_0, %arg0 : i32
    %mul3A_1 = arith.constant 4 : i32
    %mul3A_2 = arith.muli %add3A, %mul3A_1 : i32
    %dma_start3A = arith.constant 0 : i32
    %dma_start3A_3 = tpu.memref_slice %arg3[%mul3A_2, %dma_start3A] : memref<128x18432xf32, #tpu.memory_space<hbm>> -> memref<4x18432xf32, #tpu.memory_space<hbm>>
    %dma_start3A_4 = arith.constant 0 : i32
    %dma_start3A_5 = tpu.memref_slice %arg3[%mul3A_2, %dma_start3A_4] : memref<128x18432xf32, #tpu.memory_space<hbm>> -> memref<4x18432xf32, #tpu.memory_space<hbm>>
    tpu.enqueue_dma source(%dma_start3A_5 : memref<4x18432xf32, #tpu.memory_space<hbm>>) target(%arg6 : memref<4x18432xf32, #tpu.memory_space<vmem>>) target_semaphore(%arg7 : memref<!tpu.dma_semaphore, #tpu.memory_space<semaphore_mem>>)
    "tpu.region"() ({
      %run_scoped3A = tpu.sem_alloc : memref<!tpu.dma_semaphore, #tpu.memory_space<semaphore_mem>>
      tpu.enqueue_dma source(%arg2 : memref<4096xi32, #tpu.memory_space<hbm>>) target(%arg5 : memref<4096xi32, #tpu.memory_space<vmem>>) target_semaphore(%run_scoped3A : memref<!tpu.dma_semaphore, #tpu.memory_space<semaphore_mem>>)
      tpu.wait_dma2 semaphore(%run_scoped3A : memref<!tpu.dma_semaphore, #tpu.memory_space<semaphore_mem>>) src(%arg2 : memref<4096xi32, #tpu.memory_space<hbm>>) dst(%arg5 : memref<4096xi32, #tpu.memory_space<vmem>>)
      tpu.yield
    }) : () -> ()
    %dma_wait3A = arith.constant 0 : i32
    %dma_wait3A_6 = tpu.memref_slice %arg3[%mul3A_2, %dma_wait3A] : memref<128x18432xf32, #tpu.memory_space<hbm>> -> memref<4x18432xf32, #tpu.memory_space<hbm>>
    %dma_wait3A_7 = arith.constant 0 : i32
    %dma_wait3A_8 = tpu.memref_slice %arg3[%mul3A_2, %dma_wait3A_7] : memref<128x18432xf32, #tpu.memory_space<hbm>> -> memref<4x18432xf32, #tpu.memory_space<hbm>>
    tpu.wait_dma2 semaphore(%arg7 : memref<!tpu.dma_semaphore, #tpu.memory_space<semaphore_mem>>) src(%dma_wait3A_8 : memref<4x18432xf32, #tpu.memory_space<hbm>>) dst(%arg6 : memref<4x18432xf32, #tpu.memory_space<vmem>>)
    %scan3A = arith.constant 0 : i32
    %scan3A_9 = arith.constant 0 : i32
    %scan3A_10 = arith.constant 256 : i32
    %scan3A_11 = arith.addi %scan3A_9, %scan3A_10 : i32
    %scan3A_12 = arith.constant 1 : i32
    %scan3A_13 = scf.for %scan3A_24 = %scan3A_9 to %scan3A_11 step %scan3A_12 iter_args(%scan3A_25 = %scan3A) -> (i32)  : i32 {
      %mul3A_26 = arith.constant 16 : i32
      %mul3A_27 = arith.muli %scan3A_24, %mul3A_26 : i32
      %get3A = arith.index_cast %mul3A_27 : i32 to index
      %get3A_28 = tpu.vector_load %arg5[%get3A] {strides = array<i32>} : memref<4096xi32, #tpu.memory_space<vmem>>, vector<16xi32>,
      %get3A_29 = vector.shape_cast %get3A_28 : vector<16xi32> to vector<16xi32>
      %slice3A = vector.extract_strided_slice %get3A_29 {offsets = [0], sizes = [1], strides = [1]} : vector<16xi32> to vector<1xi32>
      %squeeze3A = vector.extract %slice3A[0] : i32 from vector<1xi32>
      %slice3A_30 = vector.extract_strided_slice %get3A_29 {offsets = [1], sizes = [1], strides = [1]} : vector<16xi32> to vector<1xi32>
      %squeeze3A_31 = vector.extract %slice3A_30[0] : i32 from vector<1xi32>
      %slice3A_32 = vector.extract_strided_slice %get3A_29 {offsets = [2], sizes = [1], strides = [1]} : vector<16xi32> to vector<1xi32>
      %squeeze3A_33 = vector.extract %slice3A_32[0] : i32 from vector<1xi32>
      %slice3A_34 = vector.extract_strided_slice %get3A_29 {offsets = [3], sizes = [1], strides = [1]} : vector<16xi32> to vector<1xi32>
      %squeeze3A_35 = vector.extract %slice3A_34[0] : i32 from vector<1xi32>
      %slice3A_36 = vector.extract_strided_slice %get3A_29 {offsets = [4], sizes = [1], strides = [1]} : vector<16xi32> to vector<1xi32>
      %squeeze3A_37 = vector.extract %slice3A_36[0] : i32 from vector<1xi32>
      %slice3A_38 = vector.extract_strided_slice %get3A_29 {offsets = [5], sizes = [1], strides = [1]} : vector<16xi32> to vector<1xi32>
      %squeeze3A_39 = vector.extract %slice3A_38[0] : i32 from vector<1xi32>
      %slice3A_40 = vector.extract_strided_slice %get3A_29 {offsets = [6], sizes = [1], strides = [1]} : vector<16xi32> to vector<1xi32>
      %squeeze3A_41 = vector.extract %slice3A_40[0] : i32 from vector<1xi32>
      %slice3A_42 = vector.extract_strided_slice %get3A_29 {offsets = [7], sizes = [1], strides = [1]} : vector<16xi32> to vector<1xi32>
      %squeeze3A_43 = vector.extract %slice3A_42[0] : i32 from vector<1xi32>
      %slice3A_44 = vector.extract_strided_slice %get3A_29 {offsets = [8], sizes = [1], strides = [1]} : vector<16xi32> to vector<1xi32>
      %squeeze3A_45 = vector.extract %slice3A_44[0] : i32 from vector<1xi32>
      %slice3A_46 = vector.extract_strided_slice %get3A_29 {offsets = [9], sizes = [1], strides = [1]} : vector<16xi32> to vector<1xi32>
      %squeeze3A_47 = vector.extract %slice3A_46[0] : i32 from vector<1xi32>
      %slice3A_48 = vector.extract_strided_slice %get3A_29 {offsets = [10], sizes = [1], strides = [1]} : vector<16xi32> to vector<1xi32>
      %squeeze3A_49 = vector.extract %slice3A_48[0] : i32 from vector<1xi32>
      %slice3A_50 = vector.extract_strided_slice %get3A_29 {offsets = [11], sizes = [1], strides = [1]} : vector<16xi32> to vector<1xi32>
      %squeeze3A_51 = vector.extract %slice3A_50[0] : i32 from vector<1xi32>
      %slice3A_52 = vector.extract_strided_slice %get3A_29 {offsets = [12], sizes = [1], strides = [1]} : vector<16xi32> to vector<1xi32>
      %squeeze3A_53 = vector.extract %slice3A_52[0] : i32 from vector<1xi32>
      %slice3A_54 = vector.extract_strided_slice %get3A_29 {offsets = [13], sizes = [1], strides = [1]} : vector<16xi32> to vector<1xi32>
      %squeeze3A_55 = vector.extract %slice3A_54[0] : i32 from vector<1xi32>
      %slice3A_56 = vector.extract_strided_slice %get3A_29 {offsets = [14], sizes = [1], strides = [1]} : vector<16xi32> to vector<1xi32>
      %squeeze3A_57 = vector.extract %slice3A_56[0] : i32 from vector<1xi32>
      %slice3A_58 = vector.extract_strided_slice %get3A_29 {offsets = [15], sizes = [1], strides = [1]} : vector<16xi32> to vector<1xi32>
      %squeeze3A_59 = vector.extract %slice3A_58[0] : i32 from vector<1xi32>
      %ge3A = arith.cmpi sge, %squeeze3A, %mul3A_2 : i32
      %add3A_60 = arith.constant 4 : i32
      %add3A_61 = arith.addi %mul3A_2, %add3A_60 : i32
      %lt3A = arith.cmpi slt, %squeeze3A, %add3A_61 : i32
      %and3A = arith.andi %ge3A, %lt3A : i1
      %ge3A_62 = arith.cmpi sge, %squeeze3A_31, %mul3A_2 : i32
      %add3A_63 = arith.constant 4 : i32
      %add3A_64 = arith.addi %mul3A_2, %add3A_63 : i32
      %lt3A_65 = arith.cmpi slt, %squeeze3A_31, %add3A_64 : i32
      %and3A_66 = arith.andi %ge3A_62, %lt3A_65 : i1
      %ge3A_67 = arith.cmpi sge, %squeeze3A_33, %mul3A_2 : i32
      %add3A_68 = arith.constant 4 : i32
      %add3A_69 = arith.addi %mul3A_2, %add3A_68 : i32
      %lt3A_70 = arith.cmpi slt, %squeeze3A_33, %add3A_69 : i32
      %and3A_71 = arith.andi %ge3A_67, %lt3A_70 : i1
      %ge3A_72 = arith.cmpi sge, %squeeze3A_35, %mul3A_2 : i32
      %add3A_73 = arith.constant 4 : i32
      %add3A_74 = arith.addi %mul3A_2, %add3A_73 : i32
      %lt3A_75 = arith.cmpi slt, %squeeze3A_35, %add3A_74 : i32
      %and3A_76 = arith.andi %ge3A_72, %lt3A_75 : i1
      %ge3A_77 = arith.cmpi sge, %squeeze3A_37, %mul3A_2 : i32
      %add3A_78 = arith.constant 4 : i32
      %add3A_79 = arith.addi %mul3A_2, %add3A_78 : i32
      %lt3A_80 = arith.cmpi slt, %squeeze3A_37, %add3A_79 : i32
      %and3A_81 = arith.andi %ge3A_77, %lt3A_80 : i1
      %ge3A_82 = arith.cmpi sge, %squeeze3A_39, %mul3A_2 : i32
      %add3A_83 = arith.constant 4 : i32
      %add3A_84 = arith.addi %mul3A_2, %add3A_83 : i32
      %lt3A_85 = arith.cmpi slt, %squeeze3A_39, %add3A_84 : i32
      %and3A_86 = arith.andi %ge3A_82, %lt3A_85 : i1
      %ge3A_87 = arith.cmpi sge, %squeeze3A_41, %mul3A_2 : i32
      %add3A_88 = arith.constant 4 : i32
      %add3A_89 = arith.addi %mul3A_2, %add3A_88 : i32
      %lt3A_90 = arith.cmpi slt, %squeeze3A_41, %add3A_89 : i32
      %and3A_91 = arith.andi %ge3A_87, %lt3A_90 : i1
      %ge3A_92 = arith.cmpi sge, %squeeze3A_43, %mul3A_2 : i32
      %add3A_93 = arith.constant 4 : i32
      %add3A_94 = arith.addi %mul3A_2, %add3A_93 : i32
      %lt3A_95 = arith.cmpi slt, %squeeze3A_43, %add3A_94 : i32
      %and3A_96 = arith.andi %ge3A_92, %lt3A_95 : i1
      %ge3A_97 = arith.cmpi sge, %squeeze3A_45, %mul3A_2 : i32
      %add3A_98 = arith.constant 4 : i32
      %add3A_99 = arith.addi %mul3A_2, %add3A_98 : i32
      %lt3A_100 = arith.cmpi slt, %squeeze3A_45, %add3A_99 : i32
      %and3A_101 = arith.andi %ge3A_97, %lt3A_100 : i1
      %ge3A_102 = arith.cmpi sge, %squeeze3A_47, %mul3A_2 : i32
      %add3A_103 = arith.constant 4 : i32
      %add3A_104 = arith.addi %mul3A_2, %add3A_103 : i32
      %lt3A_105 = arith.cmpi slt, %squeeze3A_47, %add3A_104 : i32
      %and3A_106 = arith.andi %ge3A_102, %lt3A_105 : i1
      %ge3A_107 = arith.cmpi sge, %squeeze3A_49, %mul3A_2 : i32
      %add3A_108 = arith.constant 4 : i32
      %add3A_109 = arith.addi %mul3A_2, %add3A_108 : i32
      %lt3A_110 = arith.cmpi slt, %squeeze3A_49, %add3A_109 : i32
      %and3A_111 = arith.andi %ge3A_107, %lt3A_110 : i1
      %ge3A_112 = arith.cmpi sge, %squeeze3A_51, %mul3A_2 : i32
      %add3A_113 = arith.constant 4 : i32
      %add3A_114 = arith.addi %mul3A_2, %add3A_113 : i32
      %lt3A_115 = arith.cmpi slt, %squeeze3A_51, %add3A_114 : i32
      %and3A_116 = arith.andi %ge3A_112, %lt3A_115 : i1
      %ge3A_117 = arith.cmpi sge, %squeeze3A_53, %mul3A_2 : i32
      %add3A_118 = arith.constant 4 : i32
      %add3A_119 = arith.addi %mul3A_2, %add3A_118 : i32
      %lt3A_120 = arith.cmpi slt, %squeeze3A_53, %add3A_119 : i32
      %and3A_121 = arith.andi %ge3A_117, %lt3A_120 : i1
      %ge3A_122 = arith.cmpi sge, %squeeze3A_55, %mul3A_2 : i32
      %add3A_123 = arith.constant 4 : i32
      %add3A_124 = arith.addi %mul3A_2, %add3A_123 : i32
      %lt3A_125 = arith.cmpi slt, %squeeze3A_55, %add3A_124 : i32
      %and3A_126 = arith.andi %ge3A_122, %lt3A_125 : i1
      %ge3A_127 = arith.cmpi sge, %squeeze3A_57, %mul3A_2 : i32
      %add3A_128 = arith.constant 4 : i32
      %add3A_129 = arith.addi %mul3A_2, %add3A_128 : i32
      %lt3A_130 = arith.cmpi slt, %squeeze3A_57, %add3A_129 : i32
      %and3A_131 = arith.andi %ge3A_127, %lt3A_130 : i1
      %ge3A_132 = arith.cmpi sge, %squeeze3A_59, %mul3A_2 : i32
      %add3A_133 = arith.constant 4 : i32
      %add3A_134 = arith.addi %mul3A_2, %add3A_133 : i32
      %lt3A_135 = arith.cmpi slt, %squeeze3A_59, %add3A_134 : i32
      %and3A_136 = arith.andi %ge3A_132, %lt3A_135 : i1
      %or3A = arith.ori %and3A, %and3A_66 : i1
      %or3A_137 = arith.ori %or3A, %and3A_71 : i1
      %or3A_138 = arith.ori %or3A_137, %and3A_76 : i1
      %or3A_139 = arith.ori %or3A_138, %and3A_81 : i1
      %or3A_140 = arith.ori %or3A_139, %and3A_86 : i1
      %or3A_141 = arith.ori %or3A_140, %and3A_91 : i1
      %or3A_142 = arith.ori %or3A_141, %and3A_96 : i1
      %or3A_143 = arith.ori %or3A_142, %and3A_101 : i1
      %or3A_144 = arith.ori %or3A_143, %and3A_106 : i1
      %or3A_145 = arith.ori %or3A_144, %and3A_111 : i1
      %or3A_146 = arith.ori %or3A_145, %and3A_116 : i1
      %or3A_147 = arith.ori %or3A_146, %and3A_121 : i1
      %or3A_148 = arith.ori %or3A_147, %and3A_126 : i1
      %or3A_149 = arith.ori %or3A_148, %and3A_131 : i1
      %or3A_150 = arith.ori %or3A_149, %and3A_136 : i1
      %convert_element_type3A = arith.extui %or3A_150 : i1 to i32
      %cond3A = arith.constant 0 : i32
      %cond3A_151 = arith.cmpi ne, %convert_element_type3A, %cond3A : i32
      %cond3A_152 = scf.if %cond3A_151 -> (i32) {
        %ge3A_153 = arith.constant 32 : i32
        %ge3A_154 = arith.cmpi sge, %scan3A_25, %ge3A_153 : i32
        %and3A_155 = arith.andi %and3A, %ge3A_154 : i1
        %convert_element_type3A_156 = arith.extui %and3A_155 : i1 to i32
        %cond3A_157 = arith.constant 0 : i32
        %cond3A_158 = arith.cmpi ne, %convert_element_type3A_156, %cond3A_157 : i32
        scf.if %cond3A_158 {
          %dma_wait3A_375 = arith.constant 0 : i32
          %dma_wait3A_376 = arith.constant 0 : i32
          %dma_wait3A_377 = tpu.memref_slice %arg6[%dma_wait3A_375, %dma_wait3A_376] : memref<4x18432xf32, #tpu.memory_space<vmem>> -> memref<1x18432xf32, #tpu.memory_space<vmem>>
          %dma_wait3A_378 = arith.constant 0 : i32
          %dma_wait3A_379 = arith.constant 0 : i32
          %dma_wait3A_380 = tpu.memref_slice %arg4[%dma_wait3A_378, %dma_wait3A_379] : memref<4096x18432xf32, #tpu.memory_space<hbm>> -> memref<1x18432xf32, #tpu.memory_space<hbm>>
          %dma_wait3A_381 = arith.constant 0 : i32
          %dma_wait3A_382 = arith.constant 0 : i32
          %dma_wait3A_383 = tpu.memref_slice %arg4[%dma_wait3A_381, %dma_wait3A_382] : memref<4096x18432xf32, #tpu.memory_space<hbm>> -> memref<1x18432xf32, #tpu.memory_space<hbm>>
          %dma_wait3A_384 = arith.constant 0 : i32
          %dma_wait3A_385 = arith.constant 0 : i32
          %dma_wait3A_386 = tpu.memref_slice %arg6[%dma_wait3A_384, %dma_wait3A_385] : memref<4x18432xf32, #tpu.memory_space<vmem>> -> memref<1x18432xf32, #tpu.memory_space<vmem>>
          tpu.wait_dma2 semaphore(%arg8 : memref<!tpu.dma_semaphore, #tpu.memory_space<semaphore_mem>>) src(%dma_wait3A_386 : memref<1x18432xf32, #tpu.memory_space<vmem>>) dst(%dma_wait3A_383 : memref<1x18432xf32, #tpu.memory_space<hbm>>)
        } else {
        }
        %convert_element_type3A_159 = arith.extui %and3A : i1 to i32
        %cond3A_160 = arith.constant 0 : i32
        %cond3A_161 = arith.cmpi ne, %convert_element_type3A_159, %cond3A_160 : i32
        scf.if %cond3A_161 {
          %sub3A = arith.subi %squeeze3A, %mul3A_2 : i32
          %mul3A_375 = arith.constant 16 : i32
          %mul3A_376 = arith.muli %scan3A_24, %mul3A_375 : i32
          %add3A_377 = arith.constant 0 : i32
          %add3A_378 = arith.addi %mul3A_376, %add3A_377 : i32
          %dma_start3A_379 = arith.constant 0 : i32
          %dma_start3A_380 = tpu.memref_slice %arg6[%sub3A, %dma_start3A_379] : memref<4x18432xf32, #tpu.memory_space<vmem>> -> memref<1x18432xf32, #tpu.memory_space<vmem>>
          %dma_start3A_381 = arith.constant 0 : i32
          %dma_start3A_382 = tpu.memref_slice %arg4[%add3A_378, %dma_start3A_381] : memref<4096x18432xf32, #tpu.memory_space<hbm>> -> memref<1x18432xf32, #tpu.memory_space<hbm>>
          %dma_start3A_383 = arith.constant 0 : i32
          %dma_start3A_384 = tpu.memref_slice %arg4[%add3A_378, %dma_start3A_383] : memref<4096x18432xf32, #tpu.memory_space<hbm>> -> memref<1x18432xf32, #tpu.memory_space<hbm>>
          %dma_start3A_385 = arith.constant 0 : i32
          %dma_start3A_386 = tpu.memref_slice %arg6[%sub3A, %dma_start3A_385] : memref<4x18432xf32, #tpu.memory_space<vmem>> -> memref<1x18432xf32, #tpu.memory_space<vmem>>
          tpu.enqueue_dma source(%dma_start3A_386 : memref<1x18432xf32, #tpu.memory_space<vmem>>) target(%dma_start3A_384 : memref<1x18432xf32, #tpu.memory_space<hbm>>) target_semaphore(%arg8 : memref<!tpu.dma_semaphore, #tpu.memory_space<semaphore_mem>>)
        } else {
        }
        %add3A_162 = arith.constant 1 : i32
        %add3A_163 = arith.addi %scan3A_25, %add3A_162 : i32
        %min3A = arith.constant 32 : i32
        %min3A_164 = arith.minsi %add3A_163, %min3A : i32
        %select_n3A = arith.select %and3A, %min3A_164, %scan3A_25 : i32
        %ge3A_165 = arith.constant 32 : i32
        %ge3A_166 = arith.cmpi sge, %select_n3A, %ge3A_165 : i32
        %and3A_167 = arith.andi %and3A_66, %ge3A_166 : i1
        %convert_element_type3A_168 = arith.extui %and3A_167 : i1 to i32
        %cond3A_169 = arith.constant 0 : i32
        %cond3A_170 = arith.cmpi ne, %convert_element_type3A_168, %cond3A_169 : i32
        scf.if %cond3A_170 {
          %dma_wait3A_375 = arith.constant 0 : i32
          %dma_wait3A_376 = arith.constant 0 : i32
          %dma_wait3A_377 = tpu.memref_slice %arg6[%dma_wait3A_375, %dma_wait3A_376] : memref<4x18432xf32, #tpu.memory_space<vmem>> -> memref<1x18432xf32, #tpu.memory_space<vmem>>
          %dma_wait3A_378 = arith.constant 0 : i32
          %dma_wait3A_379 = arith.constant 0 : i32
          %dma_wait3A_380 = tpu.memref_slice %arg4[%dma_wait3A_378, %dma_wait3A_379] : memref<4096x18432xf32, #tpu.memory_space<hbm>> -> memref<1x18432xf32, #tpu.memory_space<hbm>>
          %dma_wait3A_381 = arith.constant 0 : i32
          %dma_wait3A_382 = arith.constant 0 : i32
          %dma_wait3A_383 = tpu.memref_slice %arg4[%dma_wait3A_381, %dma_wait3A_382] : memref<4096x18432xf32, #tpu.memory_space<hbm>> -> memref<1x18432xf32, #tpu.memory_space<hbm>>
          %dma_wait3A_384 = arith.constant 0 : i32
          %dma_wait3A_385 = arith.constant 0 : i32
          %dma_wait3A_386 = tpu.memref_slice %arg6[%dma_wait3A_384, %dma_wait3A_385] : memref<4x18432xf32, #tpu.memory_space<vmem>> -> memref<1x18432xf32, #tpu.memory_space<vmem>>
          tpu.wait_dma2 semaphore(%arg8 : memref<!tpu.dma_semaphore, #tpu.memory_space<semaphore_mem>>) src(%dma_wait3A_386 : memref<1x18432xf32, #tpu.memory_space<vmem>>) dst(%dma_wait3A_383 : memref<1x18432xf32, #tpu.memory_space<hbm>>)
        } else {
        }
        %convert_element_type3A_171 = arith.extui %and3A_66 : i1 to i32
        %cond3A_172 = arith.constant 0 : i32
        %cond3A_173 = arith.cmpi ne, %convert_element_type3A_171, %cond3A_172 : i32
        scf.if %cond3A_173 {
          %sub3A = arith.subi %squeeze3A_31, %mul3A_2 : i32
          %mul3A_375 = arith.constant 16 : i32
          %mul3A_376 = arith.muli %scan3A_24, %mul3A_375 : i32
          %add3A_377 = arith.constant 1 : i32
          %add3A_378 = arith.addi %mul3A_376, %add3A_377 : i32
          %dma_start3A_379 = arith.constant 0 : i32
          %dma_start3A_380 = tpu.memref_slice %arg6[%sub3A, %dma_start3A_379] : memref<4x18432xf32, #tpu.memory_space<vmem>> -> memref<1x18432xf32, #tpu.memory_space<vmem>>
          %dma_start3A_381 = arith.constant 0 : i32
          %dma_start3A_382 = tpu.memref_slice %arg4[%add3A_378, %dma_start3A_381] : memref<4096x18432xf32, #tpu.memory_space<hbm>> -> memref<1x18432xf32, #tpu.memory_space<hbm>>
          %dma_start3A_383 = arith.constant 0 : i32
          %dma_start3A_384 = tpu.memref_slice %arg4[%add3A_378, %dma_start3A_383] : memref<4096x18432xf32, #tpu.memory_space<hbm>> -> memref<1x18432xf32, #tpu.memory_space<hbm>>
          %dma_start3A_385 = arith.constant 0 : i32
          %dma_start3A_386 = tpu.memref_slice %arg6[%sub3A, %dma_start3A_385] : memref<4x18432xf32, #tpu.memory_space<vmem>> -> memref<1x18432xf32, #tpu.memory_space<vmem>>
          tpu.enqueue_dma source(%dma_start3A_386 : memref<1x18432xf32, #tpu.memory_space<vmem>>) target(%dma_start3A_384 : memref<1x18432xf32, #tpu.memory_space<hbm>>) target_semaphore(%arg8 : memref<!tpu.dma_semaphore, #tpu.memory_space<semaphore_mem>>)
        } else {
        }
        %add3A_174 = arith.constant 1 : i32
        %add3A_175 = arith.addi %select_n3A, %add3A_174 : i32
        %min3A_176 = arith.constant 32 : i32
        %min3A_177 = arith.minsi %add3A_175, %min3A_176 : i32
        %select_n3A_178 = arith.select %and3A_66, %min3A_177, %select_n3A : i32
        %ge3A_179 = arith.constant 32 : i32
        %ge3A_180 = arith.cmpi sge, %select_n3A_178, %ge3A_179 : i32
        %and3A_181 = arith.andi %and3A_71, %ge3A_180 : i1
        %convert_element_type3A_182 = arith.extui %and3A_181 : i1 to i32
        %cond3A_183 = arith.constant 0 : i32
        %cond3A_184 = arith.cmpi ne, %convert_element_type3A_182, %cond3A_183 : i32
        scf.if %cond3A_184 {
          %dma_wait3A_375 = arith.constant 0 : i32
          %dma_wait3A_376 = arith.constant 0 : i32
          %dma_wait3A_377 = tpu.memref_slice %arg6[%dma_wait3A_375, %dma_wait3A_376] : memref<4x18432xf32, #tpu.memory_space<vmem>> -> memref<1x18432xf32, #tpu.memory_space<vmem>>
          %dma_wait3A_378 = arith.constant 0 : i32
          %dma_wait3A_379 = arith.constant 0 : i32
          %dma_wait3A_380 = tpu.memref_slice %arg4[%dma_wait3A_378, %dma_wait3A_379] : memref<4096x18432xf32, #tpu.memory_space<hbm>> -> memref<1x18432xf32, #tpu.memory_space<hbm>>
          %dma_wait3A_381 = arith.constant 0 : i32
          %dma_wait3A_382 = arith.constant 0 : i32
          %dma_wait3A_383 = tpu.memref_slice %arg4[%dma_wait3A_381, %dma_wait3A_382] : memref<4096x18432xf32, #tpu.memory_space<hbm>> -> memref<1x18432xf32, #tpu.memory_space<hbm>>
          %dma_wait3A_384 = arith.constant 0 : i32
          %dma_wait3A_385 = arith.constant 0 : i32
          %dma_wait3A_386 = tpu.memref_slice %arg6[%dma_wait3A_384, %dma_wait3A_385] : memref<4x18432xf32, #tpu.memory_space<vmem>> -> memref<1x18432xf32, #tpu.memory_space<vmem>>
          tpu.wait_dma2 semaphore(%arg8 : memref<!tpu.dma_semaphore, #tpu.memory_space<semaphore_mem>>) src(%dma_wait3A_386 : memref<1x18432xf32, #tpu.memory_space<vmem>>) dst(%dma_wait3A_383 : memref<1x18432xf32, #tpu.memory_space<hbm>>)
        } else {
        }
        %convert_element_type3A_185 = arith.extui %and3A_71 : i1 to i32
        %cond3A_186 = arith.constant 0 : i32
        %cond3A_187 = arith.cmpi ne, %convert_element_type3A_185, %cond3A_186 : i32
        scf.if %cond3A_187 {
          %sub3A = arith.subi %squeeze3A_33, %mul3A_2 : i32
          %mul3A_375 = arith.constant 16 : i32
          %mul3A_376 = arith.muli %scan3A_24, %mul3A_375 : i32
          %add3A_377 = arith.constant 2 : i32
          %add3A_378 = arith.addi %mul3A_376, %add3A_377 : i32
          %dma_start3A_379 = arith.constant 0 : i32
          %dma_start3A_380 = tpu.memref_slice %arg6[%sub3A, %dma_start3A_379] : memref<4x18432xf32, #tpu.memory_space<vmem>> -> memref<1x18432xf32, #tpu.memory_space<vmem>>
          %dma_start3A_381 = arith.constant 0 : i32
          %dma_start3A_382 = tpu.memref_slice %arg4[%add3A_378, %dma_start3A_381] : memref<4096x18432xf32, #tpu.memory_space<hbm>> -> memref<1x18432xf32, #tpu.memory_space<hbm>>
          %dma_start3A_383 = arith.constant 0 : i32
          %dma_start3A_384 = tpu.memref_slice %arg4[%add3A_378, %dma_start3A_383] : memref<4096x18432xf32, #tpu.memory_space<hbm>> -> memref<1x18432xf32, #tpu.memory_space<hbm>>
          %dma_start3A_385 = arith.constant 0 : i32
          %dma_start3A_386 = tpu.memref_slice %arg6[%sub3A, %dma_start3A_385] : memref<4x18432xf32, #tpu.memory_space<vmem>> -> memref<1x18432xf32, #tpu.memory_space<vmem>>
          tpu.enqueue_dma source(%dma_start3A_386 : memref<1x18432xf32, #tpu.memory_space<vmem>>) target(%dma_start3A_384 : memref<1x18432xf32, #tpu.memory_space<hbm>>) target_semaphore(%arg8 : memref<!tpu.dma_semaphore, #tpu.memory_space<semaphore_mem>>)
        } else {
        }
        %add3A_188 = arith.constant 1 : i32
        %add3A_189 = arith.addi %select_n3A_178, %add3A_188 : i32
        %min3A_190 = arith.constant 32 : i32
        %min3A_191 = arith.minsi %add3A_189, %min3A_190 : i32
        %select_n3A_192 = arith.select %and3A_71, %min3A_191, %select_n3A_178 : i32
        %ge3A_193 = arith.constant 32 : i32
        %ge3A_194 = arith.cmpi sge, %select_n3A_192, %ge3A_193 : i32
        %and3A_195 = arith.andi %and3A_76, %ge3A_194 : i1
        %convert_element_type3A_196 = arith.extui %and3A_195 : i1 to i32
        %cond3A_197 = arith.constant 0 : i32
        %cond3A_198 = arith.cmpi ne, %convert_element_type3A_196, %cond3A_197 : i32
        scf.if %cond3A_198 {
          %dma_wait3A_375 = arith.constant 0 : i32
          %dma_wait3A_376 = arith.constant 0 : i32
          %dma_wait3A_377 = tpu.memref_slice %arg6[%dma_wait3A_375, %dma_wait3A_376] : memref<4x18432xf32, #tpu.memory_space<vmem>> -> memref<1x18432xf32, #tpu.memory_space<vmem>>
          %dma_wait3A_378 = arith.constant 0 : i32
          %dma_wait3A_379 = arith.constant 0 : i32
          %dma_wait3A_380 = tpu.memref_slice %arg4[%dma_wait3A_378, %dma_wait3A_379] : memref<4096x18432xf32, #tpu.memory_space<hbm>> -> memref<1x18432xf32, #tpu.memory_space<hbm>>
          %dma_wait3A_381 = arith.constant 0 : i32
          %dma_wait3A_382 = arith.constant 0 : i32
          %dma_wait3A_383 = tpu.memref_slice %arg4[%dma_wait3A_381, %dma_wait3A_382] : memref<4096x18432xf32, #tpu.memory_space<hbm>> -> memref<1x18432xf32, #tpu.memory_space<hbm>>
          %dma_wait3A_384 = arith.constant 0 : i32
          %dma_wait3A_385 = arith.constant 0 : i32
          %dma_wait3A_386 = tpu.memref_slice %arg6[%dma_wait3A_384, %dma_wait3A_385] : memref<4x18432xf32, #tpu.memory_space<vmem>> -> memref<1x18432xf32, #tpu.memory_space<vmem>>
          tpu.wait_dma2 semaphore(%arg8 : memref<!tpu.dma_semaphore, #tpu.memory_space<semaphore_mem>>) src(%dma_wait3A_386 : memref<1x18432xf32, #tpu.memory_space<vmem>>) dst(%dma_wait3A_383 : memref<1x18432xf32, #tpu.memory_space<hbm>>)
        } else {
        }
        %convert_element_type3A_199 = arith.extui %and3A_76 : i1 to i32
        %cond3A_200 = arith.constant 0 : i32
        %cond3A_201 = arith.cmpi ne, %convert_element_type3A_199, %cond3A_200 : i32
        scf.if %cond3A_201 {
          %sub3A = arith.subi %squeeze3A_35, %mul3A_2 : i32
          %mul3A_375 = arith.constant 16 : i32
          %mul3A_376 = arith.muli %scan3A_24, %mul3A_375 : i32
          %add3A_377 = arith.constant 3 : i32
          %add3A_378 = arith.addi %mul3A_376, %add3A_377 : i32
          %dma_start3A_379 = arith.constant 0 : i32
          %dma_start3A_380 = tpu.memref_slice %arg6[%sub3A, %dma_start3A_379] : memref<4x18432xf32, #tpu.memory_space<vmem>> -> memref<1x18432xf32, #tpu.memory_space<vmem>>
          %dma_start3A_381 = arith.constant 0 : i32
          %dma_start3A_382 = tpu.memref_slice %arg4[%add3A_378, %dma_start3A_381] : memref<4096x18432xf32, #tpu.memory_space<hbm>> -> memref<1x18432xf32, #tpu.memory_space<hbm>>
          %dma_start3A_383 = arith.constant 0 : i32
          %dma_start3A_384 = tpu.memref_slice %arg4[%add3A_378, %dma_start3A_383] : memref<4096x18432xf32, #tpu.memory_space<hbm>> -> memref<1x18432xf32, #tpu.memory_space<hbm>>
          %dma_start3A_385 = arith.constant 0 : i32
          %dma_start3A_386 = tpu.memref_slice %arg6[%sub3A, %dma_start3A_385] : memref<4x18432xf32, #tpu.memory_space<vmem>> -> memref<1x18432xf32, #tpu.memory_space<vmem>>
          tpu.enqueue_dma source(%dma_start3A_386 : memref<1x18432xf32, #tpu.memory_space<vmem>>) target(%dma_start3A_384 : memref<1x18432xf32, #tpu.memory_space<hbm>>) target_semaphore(%arg8 : memref<!tpu.dma_semaphore, #tpu.memory_space<semaphore_mem>>)
        } else {
        }
        %add3A_202 = arith.constant 1 : i32
        %add3A_203 = arith.addi %select_n3A_192, %add3A_202 : i32
        %min3A_204 = arith.constant 32 : i32
        %min3A_205 = arith.minsi %add3A_203, %min3A_204 : i32
        %select_n3A_206 = arith.select %and3A_76, %min3A_205, %select_n3A_192 : i32
        %ge3A_207 = arith.constant 32 : i32
        %ge3A_208 = arith.cmpi sge, %select_n3A_206, %ge3A_207 : i32
        %and3A_209 = arith.andi %and3A_81, %ge3A_208 : i1
        %convert_element_type3A_210 = arith.extui %and3A_209 : i1 to i32
        %cond3A_211 = arith.constant 0 : i32
        %cond3A_212 = arith.cmpi ne, %convert_element_type3A_210, %cond3A_211 : i32
        scf.if %cond3A_212 {
          %dma_wait3A_375 = arith.constant 0 : i32
          %dma_wait3A_376 = arith.constant 0 : i32
          %dma_wait3A_377 = tpu.memref_slice %arg6[%dma_wait3A_375, %dma_wait3A_376] : memref<4x18432xf32, #tpu.memory_space<vmem>> -> memref<1x18432xf32, #tpu.memory_space<vmem>>
          %dma_wait3A_378 = arith.constant 0 : i32
          %dma_wait3A_379 = arith.constant 0 : i32
          %dma_wait3A_380 = tpu.memref_slice %arg4[%dma_wait3A_378, %dma_wait3A_379] : memref<4096x18432xf32, #tpu.memory_space<hbm>> -> memref<1x18432xf32, #tpu.memory_space<hbm>>
          %dma_wait3A_381 = arith.constant 0 : i32
          %dma_wait3A_382 = arith.constant 0 : i32
          %dma_wait3A_383 = tpu.memref_slice %arg4[%dma_wait3A_381, %dma_wait3A_382] : memref<4096x18432xf32, #tpu.memory_space<hbm>> -> memref<1x18432xf32, #tpu.memory_space<hbm>>
          %dma_wait3A_384 = arith.constant 0 : i32
          %dma_wait3A_385 = arith.constant 0 : i32
          %dma_wait3A_386 = tpu.memref_slice %arg6[%dma_wait3A_384, %dma_wait3A_385] : memref<4x18432xf32, #tpu.memory_space<vmem>> -> memref<1x18432xf32, #tpu.memory_space<vmem>>
          tpu.wait_dma2 semaphore(%arg8 : memref<!tpu.dma_semaphore, #tpu.memory_space<semaphore_mem>>) src(%dma_wait3A_386 : memref<1x18432xf32, #tpu.memory_space<vmem>>) dst(%dma_wait3A_383 : memref<1x18432xf32, #tpu.memory_space<hbm>>)
        } else {
        }
        %convert_element_type3A_213 = arith.extui %and3A_81 : i1 to i32
        %cond3A_214 = arith.constant 0 : i32
        %cond3A_215 = arith.cmpi ne, %convert_element_type3A_213, %cond3A_214 : i32
        scf.if %cond3A_215 {
          %sub3A = arith.subi %squeeze3A_37, %mul3A_2 : i32
          %mul3A_375 = arith.constant 16 : i32
          %mul3A_376 = arith.muli %scan3A_24, %mul3A_375 : i32
          %add3A_377 = arith.constant 4 : i32
          %add3A_378 = arith.addi %mul3A_376, %add3A_377 : i32
          %dma_start3A_379 = arith.constant 0 : i32
          %dma_start3A_380 = tpu.memref_slice %arg6[%sub3A, %dma_start3A_379] : memref<4x18432xf32, #tpu.memory_space<vmem>> -> memref<1x18432xf32, #tpu.memory_space<vmem>>
          %dma_start3A_381 = arith.constant 0 : i32
          %dma_start3A_382 = tpu.memref_slice %arg4[%add3A_378, %dma_start3A_381] : memref<4096x18432xf32, #tpu.memory_space<hbm>> -> memref<1x18432xf32, #tpu.memory_space<hbm>>
          %dma_start3A_383 = arith.constant 0 : i32
          %dma_start3A_384 = tpu.memref_slice %arg4[%add3A_378, %dma_start3A_383] : memref<4096x18432xf32, #tpu.memory_space<hbm>> -> memref<1x18432xf32, #tpu.memory_space<hbm>>
          %dma_start3A_385 = arith.constant 0 : i32
          %dma_start3A_386 = tpu.memref_slice %arg6[%sub3A, %dma_start3A_385] : memref<4x18432xf32, #tpu.memory_space<vmem>> -> memref<1x18432xf32, #tpu.memory_space<vmem>>
          tpu.enqueue_dma source(%dma_start3A_386 : memref<1x18432xf32, #tpu.memory_space<vmem>>) target(%dma_start3A_384 : memref<1x18432xf32, #tpu.memory_space<hbm>>) target_semaphore(%arg8 : memref<!tpu.dma_semaphore, #tpu.memory_space<semaphore_mem>>)
        } else {
        }
        %add3A_216 = arith.constant 1 : i32
        %add3A_217 = arith.addi %select_n3A_206, %add3A_216 : i32
        %min3A_218 = arith.constant 32 : i32
        %min3A_219 = arith.minsi %add3A_217, %min3A_218 : i32
        %select_n3A_220 = arith.select %and3A_81, %min3A_219, %select_n3A_206 : i32
        %ge3A_221 = arith.constant 32 : i32
        %ge3A_222 = arith.cmpi sge, %select_n3A_220, %ge3A_221 : i32
        %and3A_223 = arith.andi %and3A_86, %ge3A_222 : i1
        %convert_element_type3A_224 = arith.extui %and3A_223 : i1 to i32
        %cond3A_225 = arith.constant 0 : i32
        %cond3A_226 = arith.cmpi ne, %convert_element_type3A_224, %cond3A_225 : i32
        scf.if %cond3A_226 {
          %dma_wait3A_375 = arith.constant 0 : i32
          %dma_wait3A_376 = arith.constant 0 : i32
          %dma_wait3A_377 = tpu.memref_slice %arg6[%dma_wait3A_375, %dma_wait3A_376] : memref<4x18432xf32, #tpu.memory_space<vmem>> -> memref<1x18432xf32, #tpu.memory_space<vmem>>
          %dma_wait3A_378 = arith.constant 0 : i32
          %dma_wait3A_379 = arith.constant 0 : i32
          %dma_wait3A_380 = tpu.memref_slice %arg4[%dma_wait3A_378, %dma_wait3A_379] : memref<4096x18432xf32, #tpu.memory_space<hbm>> -> memref<1x18432xf32, #tpu.memory_space<hbm>>
          %dma_wait3A_381 = arith.constant 0 : i32
          %dma_wait3A_382 = arith.constant 0 : i32
          %dma_wait3A_383 = tpu.memref_slice %arg4[%dma_wait3A_381, %dma_wait3A_382] : memref<4096x18432xf32, #tpu.memory_space<hbm>> -> memref<1x18432xf32, #tpu.memory_space<hbm>>
          %dma_wait3A_384 = arith.constant 0 : i32
          %dma_wait3A_385 = arith.constant 0 : i32
          %dma_wait3A_386 = tpu.memref_slice %arg6[%dma_wait3A_384, %dma_wait3A_385] : memref<4x18432xf32, #tpu.memory_space<vmem>> -> memref<1x18432xf32, #tpu.memory_space<vmem>>
          tpu.wait_dma2 semaphore(%arg8 : memref<!tpu.dma_semaphore, #tpu.memory_space<semaphore_mem>>) src(%dma_wait3A_386 : memref<1x18432xf32, #tpu.memory_space<vmem>>) dst(%dma_wait3A_383 : memref<1x18432xf32, #tpu.memory_space<hbm>>)
        } else {
        }
        %convert_element_type3A_227 = arith.extui %and3A_86 : i1 to i32
        %cond3A_228 = arith.constant 0 : i32
        %cond3A_229 = arith.cmpi ne, %convert_element_type3A_227, %cond3A_228 : i32
        scf.if %cond3A_229 {
          %sub3A = arith.subi %squeeze3A_39, %mul3A_2 : i32
          %mul3A_375 = arith.constant 16 : i32
          %mul3A_376 = arith.muli %scan3A_24, %mul3A_375 : i32
          %add3A_377 = arith.constant 5 : i32
          %add3A_378 = arith.addi %mul3A_376, %add3A_377 : i32
          %dma_start3A_379 = arith.constant 0 : i32
          %dma_start3A_380 = tpu.memref_slice %arg6[%sub3A, %dma_start3A_379] : memref<4x18432xf32, #tpu.memory_space<vmem>> -> memref<1x18432xf32, #tpu.memory_space<vmem>>
          %dma_start3A_381 = arith.constant 0 : i32
          %dma_start3A_382 = tpu.memref_slice %arg4[%add3A_378, %dma_start3A_381] : memref<4096x18432xf32, #tpu.memory_space<hbm>> -> memref<1x18432xf32, #tpu.memory_space<hbm>>
          %dma_start3A_383 = arith.constant 0 : i32
          %dma_start3A_384 = tpu.memref_slice %arg4[%add3A_378, %dma_start3A_383] : memref<4096x18432xf32, #tpu.memory_space<hbm>> -> memref<1x18432xf32, #tpu.memory_space<hbm>>
          %dma_start3A_385 = arith.constant 0 : i32
          %dma_start3A_386 = tpu.memref_slice %arg6[%sub3A, %dma_start3A_385] : memref<4x18432xf32, #tpu.memory_space<vmem>> -> memref<1x18432xf32, #tpu.memory_space<vmem>>
          tpu.enqueue_dma source(%dma_start3A_386 : memref<1x18432xf32, #tpu.memory_space<vmem>>) target(%dma_start3A_384 : memref<1x18432xf32, #tpu.memory_space<hbm>>) target_semaphore(%arg8 : memref<!tpu.dma_semaphore, #tpu.memory_space<semaphore_mem>>)
        } else {
        }
        %add3A_230 = arith.constant 1 : i32
        %add3A_231 = arith.addi %select_n3A_220, %add3A_230 : i32
        %min3A_232 = arith.constant 32 : i32
        %min3A_233 = arith.minsi %add3A_231, %min3A_232 : i32
        %select_n3A_234 = arith.select %and3A_86, %min3A_233, %select_n3A_220 : i32
        %ge3A_235 = arith.constant 32 : i32
        %ge3A_236 = arith.cmpi sge, %select_n3A_234, %ge3A_235 : i32
        %and3A_237 = arith.andi %and3A_91, %ge3A_236 : i1
        %convert_element_type3A_238 = arith.extui %and3A_237 : i1 to i32
        %cond3A_239 = arith.constant 0 : i32
        %cond3A_240 = arith.cmpi ne, %convert_element_type3A_238, %cond3A_239 : i32
        scf.if %cond3A_240 {
          %dma_wait3A_375 = arith.constant 0 : i32
          %dma_wait3A_376 = arith.constant 0 : i32
          %dma_wait3A_377 = tpu.memref_slice %arg6[%dma_wait3A_375, %dma_wait3A_376] : memref<4x18432xf32, #tpu.memory_space<vmem>> -> memref<1x18432xf32, #tpu.memory_space<vmem>>
          %dma_wait3A_378 = arith.constant 0 : i32
          %dma_wait3A_379 = arith.constant 0 : i32
          %dma_wait3A_380 = tpu.memref_slice %arg4[%dma_wait3A_378, %dma_wait3A_379] : memref<4096x18432xf32, #tpu.memory_space<hbm>> -> memref<1x18432xf32, #tpu.memory_space<hbm>>
          %dma_wait3A_381 = arith.constant 0 : i32
          %dma_wait3A_382 = arith.constant 0 : i32
          %dma_wait3A_383 = tpu.memref_slice %arg4[%dma_wait3A_381, %dma_wait3A_382] : memref<4096x18432xf32, #tpu.memory_space<hbm>> -> memref<1x18432xf32, #tpu.memory_space<hbm>>
          %dma_wait3A_384 = arith.constant 0 : i32
          %dma_wait3A_385 = arith.constant 0 : i32
          %dma_wait3A_386 = tpu.memref_slice %arg6[%dma_wait3A_384, %dma_wait3A_385] : memref<4x18432xf32, #tpu.memory_space<vmem>> -> memref<1x18432xf32, #tpu.memory_space<vmem>>
          tpu.wait_dma2 semaphore(%arg8 : memref<!tpu.dma_semaphore, #tpu.memory_space<semaphore_mem>>) src(%dma_wait3A_386 : memref<1x18432xf32, #tpu.memory_space<vmem>>) dst(%dma_wait3A_383 : memref<1x18432xf32, #tpu.memory_space<hbm>>)
        } else {
        }
        %convert_element_type3A_241 = arith.extui %and3A_91 : i1 to i32
        %cond3A_242 = arith.constant 0 : i32
        %cond3A_243 = arith.cmpi ne, %convert_element_type3A_241, %cond3A_242 : i32
        scf.if %cond3A_243 {
          %sub3A = arith.subi %squeeze3A_41, %mul3A_2 : i32
          %mul3A_375 = arith.constant 16 : i32
          %mul3A_376 = arith.muli %scan3A_24, %mul3A_375 : i32
          %add3A_377 = arith.constant 6 : i32
          %add3A_378 = arith.addi %mul3A_376, %add3A_377 : i32
          %dma_start3A_379 = arith.constant 0 : i32
          %dma_start3A_380 = tpu.memref_slice %arg6[%sub3A, %dma_start3A_379] : memref<4x18432xf32, #tpu.memory_space<vmem>> -> memref<1x18432xf32, #tpu.memory_space<vmem>>
          %dma_start3A_381 = arith.constant 0 : i32
          %dma_start3A_382 = tpu.memref_slice %arg4[%add3A_378, %dma_start3A_381] : memref<4096x18432xf32, #tpu.memory_space<hbm>> -> memref<1x18432xf32, #tpu.memory_space<hbm>>
          %dma_start3A_383 = arith.constant 0 : i32
          %dma_start3A_384 = tpu.memref_slice %arg4[%add3A_378, %dma_start3A_383] : memref<4096x18432xf32, #tpu.memory_space<hbm>> -> memref<1x18432xf32, #tpu.memory_space<hbm>>
          %dma_start3A_385 = arith.constant 0 : i32
          %dma_start3A_386 = tpu.memref_slice %arg6[%sub3A, %dma_start3A_385] : memref<4x18432xf32, #tpu.memory_space<vmem>> -> memref<1x18432xf32, #tpu.memory_space<vmem>>
          tpu.enqueue_dma source(%dma_start3A_386 : memref<1x18432xf32, #tpu.memory_space<vmem>>) target(%dma_start3A_384 : memref<1x18432xf32, #tpu.memory_space<hbm>>) target_semaphore(%arg8 : memref<!tpu.dma_semaphore, #tpu.memory_space<semaphore_mem>>)
        } else {
        }
        %add3A_244 = arith.constant 1 : i32
        %add3A_245 = arith.addi %select_n3A_234, %add3A_244 : i32
        %min3A_246 = arith.constant 32 : i32
        %min3A_247 = arith.minsi %add3A_245, %min3A_246 : i32
        %select_n3A_248 = arith.select %and3A_91, %min3A_247, %select_n3A_234 : i32
        %ge3A_249 = arith.constant 32 : i32
        %ge3A_250 = arith.cmpi sge, %select_n3A_248, %ge3A_249 : i32
        %and3A_251 = arith.andi %and3A_96, %ge3A_250 : i1
        %convert_element_type3A_252 = arith.extui %and3A_251 : i1 to i32
        %cond3A_253 = arith.constant 0 : i32
        %cond3A_254 = arith.cmpi ne, %convert_element_type3A_252, %cond3A_253 : i32
        scf.if %cond3A_254 {
          %dma_wait3A_375 = arith.constant 0 : i32
          %dma_wait3A_376 = arith.constant 0 : i32
          %dma_wait3A_377 = tpu.memref_slice %arg6[%dma_wait3A_375, %dma_wait3A_376] : memref<4x18432xf32, #tpu.memory_space<vmem>> -> memref<1x18432xf32, #tpu.memory_space<vmem>>
          %dma_wait3A_378 = arith.constant 0 : i32
          %dma_wait3A_379 = arith.constant 0 : i32
          %dma_wait3A_380 = tpu.memref_slice %arg4[%dma_wait3A_378, %dma_wait3A_379] : memref<4096x18432xf32, #tpu.memory_space<hbm>> -> memref<1x18432xf32, #tpu.memory_space<hbm>>
          %dma_wait3A_381 = arith.constant 0 : i32
          %dma_wait3A_382 = arith.constant 0 : i32
          %dma_wait3A_383 = tpu.memref_slice %arg4[%dma_wait3A_381, %dma_wait3A_382] : memref<4096x18432xf32, #tpu.memory_space<hbm>> -> memref<1x18432xf32, #tpu.memory_space<hbm>>
          %dma_wait3A_384 = arith.constant 0 : i32
          %dma_wait3A_385 = arith.constant 0 : i32
          %dma_wait3A_386 = tpu.memref_slice %arg6[%dma_wait3A_384, %dma_wait3A_385] : memref<4x18432xf32, #tpu.memory_space<vmem>> -> memref<1x18432xf32, #tpu.memory_space<vmem>>
          tpu.wait_dma2 semaphore(%arg8 : memref<!tpu.dma_semaphore, #tpu.memory_space<semaphore_mem>>) src(%dma_wait3A_386 : memref<1x18432xf32, #tpu.memory_space<vmem>>) dst(%dma_wait3A_383 : memref<1x18432xf32, #tpu.memory_space<hbm>>)
        } else {
        }
        %convert_element_type3A_255 = arith.extui %and3A_96 : i1 to i32
        %cond3A_256 = arith.constant 0 : i32
        %cond3A_257 = arith.cmpi ne, %convert_element_type3A_255, %cond3A_256 : i32
        scf.if %cond3A_257 {
          %sub3A = arith.subi %squeeze3A_43, %mul3A_2 : i32
          %mul3A_375 = arith.constant 16 : i32
          %mul3A_376 = arith.muli %scan3A_24, %mul3A_375 : i32
          %add3A_377 = arith.constant 7 : i32
          %add3A_378 = arith.addi %mul3A_376, %add3A_377 : i32
          %dma_start3A_379 = arith.constant 0 : i32
          %dma_start3A_380 = tpu.memref_slice %arg6[%sub3A, %dma_start3A_379] : memref<4x18432xf32, #tpu.memory_space<vmem>> -> memref<1x18432xf32, #tpu.memory_space<vmem>>
          %dma_start3A_381 = arith.constant 0 : i32
          %dma_start3A_382 = tpu.memref_slice %arg4[%add3A_378, %dma_start3A_381] : memref<4096x18432xf32, #tpu.memory_space<hbm>> -> memref<1x18432xf32, #tpu.memory_space<hbm>>
          %dma_start3A_383 = arith.constant 0 : i32
          %dma_start3A_384 = tpu.memref_slice %arg4[%add3A_378, %dma_start3A_383] : memref<4096x18432xf32, #tpu.memory_space<hbm>> -> memref<1x18432xf32, #tpu.memory_space<hbm>>
          %dma_start3A_385 = arith.constant 0 : i32
          %dma_start3A_386 = tpu.memref_slice %arg6[%sub3A, %dma_start3A_385] : memref<4x18432xf32, #tpu.memory_space<vmem>> -> memref<1x18432xf32, #tpu.memory_space<vmem>>
          tpu.enqueue_dma source(%dma_start3A_386 : memref<1x18432xf32, #tpu.memory_space<vmem>>) target(%dma_start3A_384 : memref<1x18432xf32, #tpu.memory_space<hbm>>) target_semaphore(%arg8 : memref<!tpu.dma_semaphore, #tpu.memory_space<semaphore_mem>>)
        } else {
        }
        %add3A_258 = arith.constant 1 : i32
        %add3A_259 = arith.addi %select_n3A_248, %add3A_258 : i32
        %min3A_260 = arith.constant 32 : i32
        %min3A_261 = arith.minsi %add3A_259, %min3A_260 : i32
        %select_n3A_262 = arith.select %and3A_96, %min3A_261, %select_n3A_248 : i32
        %ge3A_263 = arith.constant 32 : i32
        %ge3A_264 = arith.cmpi sge, %select_n3A_262, %ge3A_263 : i32
        %and3A_265 = arith.andi %and3A_101, %ge3A_264 : i1
        %convert_element_type3A_266 = arith.extui %and3A_265 : i1 to i32
        %cond3A_267 = arith.constant 0 : i32
        %cond3A_268 = arith.cmpi ne, %convert_element_type3A_266, %cond3A_267 : i32
        scf.if %cond3A_268 {
          %dma_wait3A_375 = arith.constant 0 : i32
          %dma_wait3A_376 = arith.constant 0 : i32
          %dma_wait3A_377 = tpu.memref_slice %arg6[%dma_wait3A_375, %dma_wait3A_376] : memref<4x18432xf32, #tpu.memory_space<vmem>> -> memref<1x18432xf32, #tpu.memory_space<vmem>>
          %dma_wait3A_378 = arith.constant 0 : i32
          %dma_wait3A_379 = arith.constant 0 : i32
          %dma_wait3A_380 = tpu.memref_slice %arg4[%dma_wait3A_378, %dma_wait3A_379] : memref<4096x18432xf32, #tpu.memory_space<hbm>> -> memref<1x18432xf32, #tpu.memory_space<hbm>>
          %dma_wait3A_381 = arith.constant 0 : i32
          %dma_wait3A_382 = arith.constant 0 : i32
          %dma_wait3A_383 = tpu.memref_slice %arg4[%dma_wait3A_381, %dma_wait3A_382] : memref<4096x18432xf32, #tpu.memory_space<hbm>> -> memref<1x18432xf32, #tpu.memory_space<hbm>>
          %dma_wait3A_384 = arith.constant 0 : i32
          %dma_wait3A_385 = arith.constant 0 : i32
          %dma_wait3A_386 = tpu.memref_slice %arg6[%dma_wait3A_384, %dma_wait3A_385] : memref<4x18432xf32, #tpu.memory_space<vmem>> -> memref<1x18432xf32, #tpu.memory_space<vmem>>
          tpu.wait_dma2 semaphore(%arg8 : memref<!tpu.dma_semaphore, #tpu.memory_space<semaphore_mem>>) src(%dma_wait3A_386 : memref<1x18432xf32, #tpu.memory_space<vmem>>) dst(%dma_wait3A_383 : memref<1x18432xf32, #tpu.memory_space<hbm>>)
        } else {
        }
        %convert_element_type3A_269 = arith.extui %and3A_101 : i1 to i32
        %cond3A_270 = arith.constant 0 : i32
        %cond3A_271 = arith.cmpi ne, %convert_element_type3A_269, %cond3A_270 : i32
        scf.if %cond3A_271 {
          %sub3A = arith.subi %squeeze3A_45, %mul3A_2 : i32
          %mul3A_375 = arith.constant 16 : i32
          %mul3A_376 = arith.muli %scan3A_24, %mul3A_375 : i32
          %add3A_377 = arith.constant 8 : i32
          %add3A_378 = arith.addi %mul3A_376, %add3A_377 : i32
          %dma_start3A_379 = arith.constant 0 : i32
          %dma_start3A_380 = tpu.memref_slice %arg6[%sub3A, %dma_start3A_379] : memref<4x18432xf32, #tpu.memory_space<vmem>> -> memref<1x18432xf32, #tpu.memory_space<vmem>>
          %dma_start3A_381 = arith.constant 0 : i32
          %dma_start3A_382 = tpu.memref_slice %arg4[%add3A_378, %dma_start3A_381] : memref<4096x18432xf32, #tpu.memory_space<hbm>> -> memref<1x18432xf32, #tpu.memory_space<hbm>>
          %dma_start3A_383 = arith.constant 0 : i32
          %dma_start3A_384 = tpu.memref_slice %arg4[%add3A_378, %dma_start3A_383] : memref<4096x18432xf32, #tpu.memory_space<hbm>> -> memref<1x18432xf32, #tpu.memory_space<hbm>>
          %dma_start3A_385 = arith.constant 0 : i32
          %dma_start3A_386 = tpu.memref_slice %arg6[%sub3A, %dma_start3A_385] : memref<4x18432xf32, #tpu.memory_space<vmem>> -> memref<1x18432xf32, #tpu.memory_space<vmem>>
          tpu.enqueue_dma source(%dma_start3A_386 : memref<1x18432xf32, #tpu.memory_space<vmem>>) target(%dma_start3A_384 : memref<1x18432xf32, #tpu.memory_space<hbm>>) target_semaphore(%arg8 : memref<!tpu.dma_semaphore, #tpu.memory_space<semaphore_mem>>)
        } else {
        }
        %add3A_272 = arith.constant 1 : i32
        %add3A_273 = arith.addi %select_n3A_262, %add3A_272 : i32
        %min3A_274 = arith.constant 32 : i32
        %min3A_275 = arith.minsi %add3A_273, %min3A_274 : i32
        %select_n3A_276 = arith.select %and3A_101, %min3A_275, %select_n3A_262 : i32
        %ge3A_277 = arith.constant 32 : i32
        %ge3A_278 = arith.cmpi sge, %select_n3A_276, %ge3A_277 : i32
        %and3A_279 = arith.andi %and3A_106, %ge3A_278 : i1
        %convert_element_type3A_280 = arith.extui %and3A_279 : i1 to i32
        %cond3A_281 = arith.constant 0 : i32
        %cond3A_282 = arith.cmpi ne, %convert_element_type3A_280, %cond3A_281 : i32
        scf.if %cond3A_282 {
          %dma_wait3A_375 = arith.constant 0 : i32
          %dma_wait3A_376 = arith.constant 0 : i32
          %dma_wait3A_377 = tpu.memref_slice %arg6[%dma_wait3A_375, %dma_wait3A_376] : memref<4x18432xf32, #tpu.memory_space<vmem>> -> memref<1x18432xf32, #tpu.memory_space<vmem>>
          %dma_wait3A_378 = arith.constant 0 : i32
          %dma_wait3A_379 = arith.constant 0 : i32
          %dma_wait3A_380 = tpu.memref_slice %arg4[%dma_wait3A_378, %dma_wait3A_379] : memref<4096x18432xf32, #tpu.memory_space<hbm>> -> memref<1x18432xf32, #tpu.memory_space<hbm>>
          %dma_wait3A_381 = arith.constant 0 : i32
          %dma_wait3A_382 = arith.constant 0 : i32
          %dma_wait3A_383 = tpu.memref_slice %arg4[%dma_wait3A_381, %dma_wait3A_382] : memref<4096x18432xf32, #tpu.memory_space<hbm>> -> memref<1x18432xf32, #tpu.memory_space<hbm>>
          %dma_wait3A_384 = arith.constant 0 : i32
          %dma_wait3A_385 = arith.constant 0 : i32
          %dma_wait3A_386 = tpu.memref_slice %arg6[%dma_wait3A_384, %dma_wait3A_385] : memref<4x18432xf32, #tpu.memory_space<vmem>> -> memref<1x18432xf32, #tpu.memory_space<vmem>>
          tpu.wait_dma2 semaphore(%arg8 : memref<!tpu.dma_semaphore, #tpu.memory_space<semaphore_mem>>) src(%dma_wait3A_386 : memref<1x18432xf32, #tpu.memory_space<vmem>>) dst(%dma_wait3A_383 : memref<1x18432xf32, #tpu.memory_space<hbm>>)
        } else {
        }
        %convert_element_type3A_283 = arith.extui %and3A_106 : i1 to i32
        %cond3A_284 = arith.constant 0 : i32
        %cond3A_285 = arith.cmpi ne, %convert_element_type3A_283, %cond3A_284 : i32
        scf.if %cond3A_285 {
          %sub3A = arith.subi %squeeze3A_47, %mul3A_2 : i32
          %mul3A_375 = arith.constant 16 : i32
          %mul3A_376 = arith.muli %scan3A_24, %mul3A_375 : i32
          %add3A_377 = arith.constant 9 : i32
          %add3A_378 = arith.addi %mul3A_376, %add3A_377 : i32
          %dma_start3A_379 = arith.constant 0 : i32
          %dma_start3A_380 = tpu.memref_slice %arg6[%sub3A, %dma_start3A_379] : memref<4x18432xf32, #tpu.memory_space<vmem>> -> memref<1x18432xf32, #tpu.memory_space<vmem>>
          %dma_start3A_381 = arith.constant 0 : i32
          %dma_start3A_382 = tpu.memref_slice %arg4[%add3A_378, %dma_start3A_381] : memref<4096x18432xf32, #tpu.memory_space<hbm>> -> memref<1x18432xf32, #tpu.memory_space<hbm>>
          %dma_start3A_383 = arith.constant 0 : i32
          %dma_start3A_384 = tpu.memref_slice %arg4[%add3A_378, %dma_start3A_383] : memref<4096x18432xf32, #tpu.memory_space<hbm>> -> memref<1x18432xf32, #tpu.memory_space<hbm>>
          %dma_start3A_385 = arith.constant 0 : i32
          %dma_start3A_386 = tpu.memref_slice %arg6[%sub3A, %dma_start3A_385] : memref<4x18432xf32, #tpu.memory_space<vmem>> -> memref<1x18432xf32, #tpu.memory_space<vmem>>
          tpu.enqueue_dma source(%dma_start3A_386 : memref<1x18432xf32, #tpu.memory_space<vmem>>) target(%dma_start3A_384 : memref<1x18432xf32, #tpu.memory_space<hbm>>) target_semaphore(%arg8 : memref<!tpu.dma_semaphore, #tpu.memory_space<semaphore_mem>>)
        } else {
        }
        %add3A_286 = arith.constant 1 : i32
        %add3A_287 = arith.addi %select_n3A_276, %add3A_286 : i32
        %min3A_288 = arith.constant 32 : i32
        %min3A_289 = arith.minsi %add3A_287, %min3A_288 : i32
        %select_n3A_290 = arith.select %and3A_106, %min3A_289, %select_n3A_276 : i32
        %ge3A_291 = arith.constant 32 : i32
        %ge3A_292 = arith.cmpi sge, %select_n3A_290, %ge3A_291 : i32
        %and3A_293 = arith.andi %and3A_111, %ge3A_292 : i1
        %convert_element_type3A_294 = arith.extui %and3A_293 : i1 to i32
        %cond3A_295 = arith.constant 0 : i32
        %cond3A_296 = arith.cmpi ne, %convert_element_type3A_294, %cond3A_295 : i32
        scf.if %cond3A_296 {
          %dma_wait3A_375 = arith.constant 0 : i32
          %dma_wait3A_376 = arith.constant 0 : i32
          %dma_wait3A_377 = tpu.memref_slice %arg6[%dma_wait3A_375, %dma_wait3A_376] : memref<4x18432xf32, #tpu.memory_space<vmem>> -> memref<1x18432xf32, #tpu.memory_space<vmem>>
          %dma_wait3A_378 = arith.constant 0 : i32
          %dma_wait3A_379 = arith.constant 0 : i32
          %dma_wait3A_380 = tpu.memref_slice %arg4[%dma_wait3A_378, %dma_wait3A_379] : memref<4096x18432xf32, #tpu.memory_space<hbm>> -> memref<1x18432xf32, #tpu.memory_space<hbm>>
          %dma_wait3A_381 = arith.constant 0 : i32
          %dma_wait3A_382 = arith.constant 0 : i32
          %dma_wait3A_383 = tpu.memref_slice %arg4[%dma_wait3A_381, %dma_wait3A_382] : memref<4096x18432xf32, #tpu.memory_space<hbm>> -> memref<1x18432xf32, #tpu.memory_space<hbm>>
          %dma_wait3A_384 = arith.constant 0 : i32
          %dma_wait3A_385 = arith.constant 0 : i32
          %dma_wait3A_386 = tpu.memref_slice %arg6[%dma_wait3A_384, %dma_wait3A_385] : memref<4x18432xf32, #tpu.memory_space<vmem>> -> memref<1x18432xf32, #tpu.memory_space<vmem>>
          tpu.wait_dma2 semaphore(%arg8 : memref<!tpu.dma_semaphore, #tpu.memory_space<semaphore_mem>>) src(%dma_wait3A_386 : memref<1x18432xf32, #tpu.memory_space<vmem>>) dst(%dma_wait3A_383 : memref<1x18432xf32, #tpu.memory_space<hbm>>)
        } else {
        }
        %convert_element_type3A_297 = arith.extui %and3A_111 : i1 to i32
        %cond3A_298 = arith.constant 0 : i32
        %cond3A_299 = arith.cmpi ne, %convert_element_type3A_297, %cond3A_298 : i32
        scf.if %cond3A_299 {
          %sub3A = arith.subi %squeeze3A_49, %mul3A_2 : i32
          %mul3A_375 = arith.constant 16 : i32
          %mul3A_376 = arith.muli %scan3A_24, %mul3A_375 : i32
          %add3A_377 = arith.constant 10 : i32
          %add3A_378 = arith.addi %mul3A_376, %add3A_377 : i32
          %dma_start3A_379 = arith.constant 0 : i32
          %dma_start3A_380 = tpu.memref_slice %arg6[%sub3A, %dma_start3A_379] : memref<4x18432xf32, #tpu.memory_space<vmem>> -> memref<1x18432xf32, #tpu.memory_space<vmem>>
          %dma_start3A_381 = arith.constant 0 : i32
          %dma_start3A_382 = tpu.memref_slice %arg4[%add3A_378, %dma_start3A_381] : memref<4096x18432xf32, #tpu.memory_space<hbm>> -> memref<1x18432xf32, #tpu.memory_space<hbm>>
          %dma_start3A_383 = arith.constant 0 : i32
          %dma_start3A_384 = tpu.memref_slice %arg4[%add3A_378, %dma_start3A_383] : memref<4096x18432xf32, #tpu.memory_space<hbm>> -> memref<1x18432xf32, #tpu.memory_space<hbm>>
          %dma_start3A_385 = arith.constant 0 : i32
          %dma_start3A_386 = tpu.memref_slice %arg6[%sub3A, %dma_start3A_385] : memref<4x18432xf32, #tpu.memory_space<vmem>> -> memref<1x18432xf32, #tpu.memory_space<vmem>>
          tpu.enqueue_dma source(%dma_start3A_386 : memref<1x18432xf32, #tpu.memory_space<vmem>>) target(%dma_start3A_384 : memref<1x18432xf32, #tpu.memory_space<hbm>>) target_semaphore(%arg8 : memref<!tpu.dma_semaphore, #tpu.memory_space<semaphore_mem>>)
        } else {
        }
        %add3A_300 = arith.constant 1 : i32
        %add3A_301 = arith.addi %select_n3A_290, %add3A_300 : i32
        %min3A_302 = arith.constant 32 : i32
        %min3A_303 = arith.minsi %add3A_301, %min3A_302 : i32
        %select_n3A_304 = arith.select %and3A_111, %min3A_303, %select_n3A_290 : i32
        %ge3A_305 = arith.constant 32 : i32
        %ge3A_306 = arith.cmpi sge, %select_n3A_304, %ge3A_305 : i32
        %and3A_307 = arith.andi %and3A_116, %ge3A_306 : i1
        %convert_element_type3A_308 = arith.extui %and3A_307 : i1 to i32
        %cond3A_309 = arith.constant 0 : i32
        %cond3A_310 = arith.cmpi ne, %convert_element_type3A_308, %cond3A_309 : i32
        scf.if %cond3A_310 {
          %dma_wait3A_375 = arith.constant 0 : i32
          %dma_wait3A_376 = arith.constant 0 : i32
          %dma_wait3A_377 = tpu.memref_slice %arg6[%dma_wait3A_375, %dma_wait3A_376] : memref<4x18432xf32, #tpu.memory_space<vmem>> -> memref<1x18432xf32, #tpu.memory_space<vmem>>
          %dma_wait3A_378 = arith.constant 0 : i32
          %dma_wait3A_379 = arith.constant 0 : i32
          %dma_wait3A_380 = tpu.memref_slice %arg4[%dma_wait3A_378, %dma_wait3A_379] : memref<4096x18432xf32, #tpu.memory_space<hbm>> -> memref<1x18432xf32, #tpu.memory_space<hbm>>
          %dma_wait3A_381 = arith.constant 0 : i32
          %dma_wait3A_382 = arith.constant 0 : i32
          %dma_wait3A_383 = tpu.memref_slice %arg4[%dma_wait3A_381, %dma_wait3A_382] : memref<4096x18432xf32, #tpu.memory_space<hbm>> -> memref<1x18432xf32, #tpu.memory_space<hbm>>
          %dma_wait3A_384 = arith.constant 0 : i32
          %dma_wait3A_385 = arith.constant 0 : i32
          %dma_wait3A_386 = tpu.memref_slice %arg6[%dma_wait3A_384, %dma_wait3A_385] : memref<4x18432xf32, #tpu.memory_space<vmem>> -> memref<1x18432xf32, #tpu.memory_space<vmem>>
          tpu.wait_dma2 semaphore(%arg8 : memref<!tpu.dma_semaphore, #tpu.memory_space<semaphore_mem>>) src(%dma_wait3A_386 : memref<1x18432xf32, #tpu.memory_space<vmem>>) dst(%dma_wait3A_383 : memref<1x18432xf32, #tpu.memory_space<hbm>>)
        } else {
        }
        %convert_element_type3A_311 = arith.extui %and3A_116 : i1 to i32
        %cond3A_312 = arith.constant 0 : i32
        %cond3A_313 = arith.cmpi ne, %convert_element_type3A_311, %cond3A_312 : i32
        scf.if %cond3A_313 {
          %sub3A = arith.subi %squeeze3A_51, %mul3A_2 : i32
          %mul3A_375 = arith.constant 16 : i32
          %mul3A_376 = arith.muli %scan3A_24, %mul3A_375 : i32
          %add3A_377 = arith.constant 11 : i32
          %add3A_378 = arith.addi %mul3A_376, %add3A_377 : i32
          %dma_start3A_379 = arith.constant 0 : i32
          %dma_start3A_380 = tpu.memref_slice %arg6[%sub3A, %dma_start3A_379] : memref<4x18432xf32, #tpu.memory_space<vmem>> -> memref<1x18432xf32, #tpu.memory_space<vmem>>
          %dma_start3A_381 = arith.constant 0 : i32
          %dma_start3A_382 = tpu.memref_slice %arg4[%add3A_378, %dma_start3A_381] : memref<4096x18432xf32, #tpu.memory_space<hbm>> -> memref<1x18432xf32, #tpu.memory_space<hbm>>
          %dma_start3A_383 = arith.constant 0 : i32
          %dma_start3A_384 = tpu.memref_slice %arg4[%add3A_378, %dma_start3A_383] : memref<4096x18432xf32, #tpu.memory_space<hbm>> -> memref<1x18432xf32, #tpu.memory_space<hbm>>
          %dma_start3A_385 = arith.constant 0 : i32
          %dma_start3A_386 = tpu.memref_slice %arg6[%sub3A, %dma_start3A_385] : memref<4x18432xf32, #tpu.memory_space<vmem>> -> memref<1x18432xf32, #tpu.memory_space<vmem>>
          tpu.enqueue_dma source(%dma_start3A_386 : memref<1x18432xf32, #tpu.memory_space<vmem>>) target(%dma_start3A_384 : memref<1x18432xf32, #tpu.memory_space<hbm>>) target_semaphore(%arg8 : memref<!tpu.dma_semaphore, #tpu.memory_space<semaphore_mem>>)
        } else {
        }
        %add3A_314 = arith.constant 1 : i32
        %add3A_315 = arith.addi %select_n3A_304, %add3A_314 : i32
        %min3A_316 = arith.constant 32 : i32
        %min3A_317 = arith.minsi %add3A_315, %min3A_316 : i32
        %select_n3A_318 = arith.select %and3A_116, %min3A_317, %select_n3A_304 : i32
        %ge3A_319 = arith.constant 32 : i32
        %ge3A_320 = arith.cmpi sge, %select_n3A_318, %ge3A_319 : i32
        %and3A_321 = arith.andi %and3A_121, %ge3A_320 : i1
        %convert_element_type3A_322 = arith.extui %and3A_321 : i1 to i32
        %cond3A_323 = arith.constant 0 : i32
        %cond3A_324 = arith.cmpi ne, %convert_element_type3A_322, %cond3A_323 : i32
        scf.if %cond3A_324 {
          %dma_wait3A_375 = arith.constant 0 : i32
          %dma_wait3A_376 = arith.constant 0 : i32
          %dma_wait3A_377 = tpu.memref_slice %arg6[%dma_wait3A_375, %dma_wait3A_376] : memref<4x18432xf32, #tpu.memory_space<vmem>> -> memref<1x18432xf32, #tpu.memory_space<vmem>>
          %dma_wait3A_378 = arith.constant 0 : i32
          %dma_wait3A_379 = arith.constant 0 : i32
          %dma_wait3A_380 = tpu.memref_slice %arg4[%dma_wait3A_378, %dma_wait3A_379] : memref<4096x18432xf32, #tpu.memory_space<hbm>> -> memref<1x18432xf32, #tpu.memory_space<hbm>>
          %dma_wait3A_381 = arith.constant 0 : i32
          %dma_wait3A_382 = arith.constant 0 : i32
          %dma_wait3A_383 = tpu.memref_slice %arg4[%dma_wait3A_381, %dma_wait3A_382] : memref<4096x18432xf32, #tpu.memory_space<hbm>> -> memref<1x18432xf32, #tpu.memory_space<hbm>>
          %dma_wait3A_384 = arith.constant 0 : i32
          %dma_wait3A_385 = arith.constant 0 : i32
          %dma_wait3A_386 = tpu.memref_slice %arg6[%dma_wait3A_384, %dma_wait3A_385] : memref<4x18432xf32, #tpu.memory_space<vmem>> -> memref<1x18432xf32, #tpu.memory_space<vmem>>
          tpu.wait_dma2 semaphore(%arg8 : memref<!tpu.dma_semaphore, #tpu.memory_space<semaphore_mem>>) src(%dma_wait3A_386 : memref<1x18432xf32, #tpu.memory_space<vmem>>) dst(%dma_wait3A_383 : memref<1x18432xf32, #tpu.memory_space<hbm>>)
        } else {
        }
        %convert_element_type3A_325 = arith.extui %and3A_121 : i1 to i32
        %cond3A_326 = arith.constant 0 : i32
        %cond3A_327 = arith.cmpi ne, %convert_element_type3A_325, %cond3A_326 : i32
        scf.if %cond3A_327 {
          %sub3A = arith.subi %squeeze3A_53, %mul3A_2 : i32
          %mul3A_375 = arith.constant 16 : i32
          %mul3A_376 = arith.muli %scan3A_24, %mul3A_375 : i32
          %add3A_377 = arith.constant 12 : i32
          %add3A_378 = arith.addi %mul3A_376, %add3A_377 : i32
          %dma_start3A_379 = arith.constant 0 : i32
          %dma_start3A_380 = tpu.memref_slice %arg6[%sub3A, %dma_start3A_379] : memref<4x18432xf32, #tpu.memory_space<vmem>> -> memref<1x18432xf32, #tpu.memory_space<vmem>>
          %dma_start3A_381 = arith.constant 0 : i32
          %dma_start3A_382 = tpu.memref_slice %arg4[%add3A_378, %dma_start3A_381] : memref<4096x18432xf32, #tpu.memory_space<hbm>> -> memref<1x18432xf32, #tpu.memory_space<hbm>>
          %dma_start3A_383 = arith.constant 0 : i32
          %dma_start3A_384 = tpu.memref_slice %arg4[%add3A_378, %dma_start3A_383] : memref<4096x18432xf32, #tpu.memory_space<hbm>> -> memref<1x18432xf32, #tpu.memory_space<hbm>>
          %dma_start3A_385 = arith.constant 0 : i32
          %dma_start3A_386 = tpu.memref_slice %arg6[%sub3A, %dma_start3A_385] : memref<4x18432xf32, #tpu.memory_space<vmem>> -> memref<1x18432xf32, #tpu.memory_space<vmem>>
          tpu.enqueue_dma source(%dma_start3A_386 : memref<1x18432xf32, #tpu.memory_space<vmem>>) target(%dma_start3A_384 : memref<1x18432xf32, #tpu.memory_space<hbm>>) target_semaphore(%arg8 : memref<!tpu.dma_semaphore, #tpu.memory_space<semaphore_mem>>)
        } else {
        }
        %add3A_328 = arith.constant 1 : i32
        %add3A_329 = arith.addi %select_n3A_318, %add3A_328 : i32
        %min3A_330 = arith.constant 32 : i32
        %min3A_331 = arith.minsi %add3A_329, %min3A_330 : i32
        %select_n3A_332 = arith.select %and3A_121, %min3A_331, %select_n3A_318 : i32
        %ge3A_333 = arith.constant 32 : i32
        %ge3A_334 = arith.cmpi sge, %select_n3A_332, %ge3A_333 : i32
        %and3A_335 = arith.andi %and3A_126, %ge3A_334 : i1
        %convert_element_type3A_336 = arith.extui %and3A_335 : i1 to i32
        %cond3A_337 = arith.constant 0 : i32
        %cond3A_338 = arith.cmpi ne, %convert_element_type3A_336, %cond3A_337 : i32
        scf.if %cond3A_338 {
          %dma_wait3A_375 = arith.constant 0 : i32
          %dma_wait3A_376 = arith.constant 0 : i32
          %dma_wait3A_377 = tpu.memref_slice %arg6[%dma_wait3A_375, %dma_wait3A_376] : memref<4x18432xf32, #tpu.memory_space<vmem>> -> memref<1x18432xf32, #tpu.memory_space<vmem>>
          %dma_wait3A_378 = arith.constant 0 : i32
          %dma_wait3A_379 = arith.constant 0 : i32
          %dma_wait3A_380 = tpu.memref_slice %arg4[%dma_wait3A_378, %dma_wait3A_379] : memref<4096x18432xf32, #tpu.memory_space<hbm>> -> memref<1x18432xf32, #tpu.memory_space<hbm>>
          %dma_wait3A_381 = arith.constant 0 : i32
          %dma_wait3A_382 = arith.constant 0 : i32
          %dma_wait3A_383 = tpu.memref_slice %arg4[%dma_wait3A_381, %dma_wait3A_382] : memref<4096x18432xf32, #tpu.memory_space<hbm>> -> memref<1x18432xf32, #tpu.memory_space<hbm>>
          %dma_wait3A_384 = arith.constant 0 : i32
          %dma_wait3A_385 = arith.constant 0 : i32
          %dma_wait3A_386 = tpu.memref_slice %arg6[%dma_wait3A_384, %dma_wait3A_385] : memref<4x18432xf32, #tpu.memory_space<vmem>> -> memref<1x18432xf32, #tpu.memory_space<vmem>>
          tpu.wait_dma2 semaphore(%arg8 : memref<!tpu.dma_semaphore, #tpu.memory_space<semaphore_mem>>) src(%dma_wait3A_386 : memref<1x18432xf32, #tpu.memory_space<vmem>>) dst(%dma_wait3A_383 : memref<1x18432xf32, #tpu.memory_space<hbm>>)
        } else {
        }
        %convert_element_type3A_339 = arith.extui %and3A_126 : i1 to i32
        %cond3A_340 = arith.constant 0 : i32
        %cond3A_341 = arith.cmpi ne, %convert_element_type3A_339, %cond3A_340 : i32
        scf.if %cond3A_341 {
          %sub3A = arith.subi %squeeze3A_55, %mul3A_2 : i32
          %mul3A_375 = arith.constant 16 : i32
          %mul3A_376 = arith.muli %scan3A_24, %mul3A_375 : i32
          %add3A_377 = arith.constant 13 : i32
          %add3A_378 = arith.addi %mul3A_376, %add3A_377 : i32
          %dma_start3A_379 = arith.constant 0 : i32
          %dma_start3A_380 = tpu.memref_slice %arg6[%sub3A, %dma_start3A_379] : memref<4x18432xf32, #tpu.memory_space<vmem>> -> memref<1x18432xf32, #tpu.memory_space<vmem>>
          %dma_start3A_381 = arith.constant 0 : i32
          %dma_start3A_382 = tpu.memref_slice %arg4[%add3A_378, %dma_start3A_381] : memref<4096x18432xf32, #tpu.memory_space<hbm>> -> memref<1x18432xf32, #tpu.memory_space<hbm>>
          %dma_start3A_383 = arith.constant 0 : i32
          %dma_start3A_384 = tpu.memref_slice %arg4[%add3A_378, %dma_start3A_383] : memref<4096x18432xf32, #tpu.memory_space<hbm>> -> memref<1x18432xf32, #tpu.memory_space<hbm>>
          %dma_start3A_385 = arith.constant 0 : i32
          %dma_start3A_386 = tpu.memref_slice %arg6[%sub3A, %dma_start3A_385] : memref<4x18432xf32, #tpu.memory_space<vmem>> -> memref<1x18432xf32, #tpu.memory_space<vmem>>
          tpu.enqueue_dma source(%dma_start3A_386 : memref<1x18432xf32, #tpu.memory_space<vmem>>) target(%dma_start3A_384 : memref<1x18432xf32, #tpu.memory_space<hbm>>) target_semaphore(%arg8 : memref<!tpu.dma_semaphore, #tpu.memory_space<semaphore_mem>>)
        } else {
        }
        %add3A_342 = arith.constant 1 : i32
        %add3A_343 = arith.addi %select_n3A_332, %add3A_342 : i32
        %min3A_344 = arith.constant 32 : i32
        %min3A_345 = arith.minsi %add3A_343, %min3A_344 : i32
        %select_n3A_346 = arith.select %and3A_126, %min3A_345, %select_n3A_332 : i32
        %ge3A_347 = arith.constant 32 : i32
        %ge3A_348 = arith.cmpi sge, %select_n3A_346, %ge3A_347 : i32
        %and3A_349 = arith.andi %and3A_131, %ge3A_348 : i1
        %convert_element_type3A_350 = arith.extui %and3A_349 : i1 to i32
        %cond3A_351 = arith.constant 0 : i32
        %cond3A_352 = arith.cmpi ne, %convert_element_type3A_350, %cond3A_351 : i32
        scf.if %cond3A_352 {
          %dma_wait3A_375 = arith.constant 0 : i32
          %dma_wait3A_376 = arith.constant 0 : i32
          %dma_wait3A_377 = tpu.memref_slice %arg6[%dma_wait3A_375, %dma_wait3A_376] : memref<4x18432xf32, #tpu.memory_space<vmem>> -> memref<1x18432xf32, #tpu.memory_space<vmem>>
          %dma_wait3A_378 = arith.constant 0 : i32
          %dma_wait3A_379 = arith.constant 0 : i32
          %dma_wait3A_380 = tpu.memref_slice %arg4[%dma_wait3A_378, %dma_wait3A_379] : memref<4096x18432xf32, #tpu.memory_space<hbm>> -> memref<1x18432xf32, #tpu.memory_space<hbm>>
          %dma_wait3A_381 = arith.constant 0 : i32
          %dma_wait3A_382 = arith.constant 0 : i32
          %dma_wait3A_383 = tpu.memref_slice %arg4[%dma_wait3A_381, %dma_wait3A_382] : memref<4096x18432xf32, #tpu.memory_space<hbm>> -> memref<1x18432xf32, #tpu.memory_space<hbm>>
          %dma_wait3A_384 = arith.constant 0 : i32
          %dma_wait3A_385 = arith.constant 0 : i32
          %dma_wait3A_386 = tpu.memref_slice %arg6[%dma_wait3A_384, %dma_wait3A_385] : memref<4x18432xf32, #tpu.memory_space<vmem>> -> memref<1x18432xf32, #tpu.memory_space<vmem>>
          tpu.wait_dma2 semaphore(%arg8 : memref<!tpu.dma_semaphore, #tpu.memory_space<semaphore_mem>>) src(%dma_wait3A_386 : memref<1x18432xf32, #tpu.memory_space<vmem>>) dst(%dma_wait3A_383 : memref<1x18432xf32, #tpu.memory_space<hbm>>)
        } else {
        }
        %convert_element_type3A_353 = arith.extui %and3A_131 : i1 to i32
        %cond3A_354 = arith.constant 0 : i32
        %cond3A_355 = arith.cmpi ne, %convert_element_type3A_353, %cond3A_354 : i32
        scf.if %cond3A_355 {
          %sub3A = arith.subi %squeeze3A_57, %mul3A_2 : i32
          %mul3A_375 = arith.constant 16 : i32
          %mul3A_376 = arith.muli %scan3A_24, %mul3A_375 : i32
          %add3A_377 = arith.constant 14 : i32
          %add3A_378 = arith.addi %mul3A_376, %add3A_377 : i32
          %dma_start3A_379 = arith.constant 0 : i32
          %dma_start3A_380 = tpu.memref_slice %arg6[%sub3A, %dma_start3A_379] : memref<4x18432xf32, #tpu.memory_space<vmem>> -> memref<1x18432xf32, #tpu.memory_space<vmem>>
          %dma_start3A_381 = arith.constant 0 : i32
          %dma_start3A_382 = tpu.memref_slice %arg4[%add3A_378, %dma_start3A_381] : memref<4096x18432xf32, #tpu.memory_space<hbm>> -> memref<1x18432xf32, #tpu.memory_space<hbm>>
          %dma_start3A_383 = arith.constant 0 : i32
          %dma_start3A_384 = tpu.memref_slice %arg4[%add3A_378, %dma_start3A_383] : memref<4096x18432xf32, #tpu.memory_space<hbm>> -> memref<1x18432xf32, #tpu.memory_space<hbm>>
          %dma_start3A_385 = arith.constant 0 : i32
          %dma_start3A_386 = tpu.memref_slice %arg6[%sub3A, %dma_start3A_385] : memref<4x18432xf32, #tpu.memory_space<vmem>> -> memref<1x18432xf32, #tpu.memory_space<vmem>>
          tpu.enqueue_dma source(%dma_start3A_386 : memref<1x18432xf32, #tpu.memory_space<vmem>>) target(%dma_start3A_384 : memref<1x18432xf32, #tpu.memory_space<hbm>>) target_semaphore(%arg8 : memref<!tpu.dma_semaphore, #tpu.memory_space<semaphore_mem>>)
        } else {
        }
        %add3A_356 = arith.constant 1 : i32
        %add3A_357 = arith.addi %select_n3A_346, %add3A_356 : i32
        %min3A_358 = arith.constant 32 : i32
        %min3A_359 = arith.minsi %add3A_357, %min3A_358 : i32
        %select_n3A_360 = arith.select %and3A_131, %min3A_359, %select_n3A_346 : i32
        %ge3A_361 = arith.constant 32 : i32
        %ge3A_362 = arith.cmpi sge, %select_n3A_360, %ge3A_361 : i32
        %and3A_363 = arith.andi %and3A_136, %ge3A_362 : i1
        %convert_element_type3A_364 = arith.extui %and3A_363 : i1 to i32
        %cond3A_365 = arith.constant 0 : i32
        %cond3A_366 = arith.cmpi ne, %convert_element_type3A_364, %cond3A_365 : i32
        scf.if %cond3A_366 {
          %dma_wait3A_375 = arith.constant 0 : i32
          %dma_wait3A_376 = arith.constant 0 : i32
          %dma_wait3A_377 = tpu.memref_slice %arg6[%dma_wait3A_375, %dma_wait3A_376] : memref<4x18432xf32, #tpu.memory_space<vmem>> -> memref<1x18432xf32, #tpu.memory_space<vmem>>
          %dma_wait3A_378 = arith.constant 0 : i32
          %dma_wait3A_379 = arith.constant 0 : i32
          %dma_wait3A_380 = tpu.memref_slice %arg4[%dma_wait3A_378, %dma_wait3A_379] : memref<4096x18432xf32, #tpu.memory_space<hbm>> -> memref<1x18432xf32, #tpu.memory_space<hbm>>
          %dma_wait3A_381 = arith.constant 0 : i32
          %dma_wait3A_382 = arith.constant 0 : i32
          %dma_wait3A_383 = tpu.memref_slice %arg4[%dma_wait3A_381, %dma_wait3A_382] : memref<4096x18432xf32, #tpu.memory_space<hbm>> -> memref<1x18432xf32, #tpu.memory_space<hbm>>
          %dma_wait3A_384 = arith.constant 0 : i32
          %dma_wait3A_385 = arith.constant 0 : i32
          %dma_wait3A_386 = tpu.memref_slice %arg6[%dma_wait3A_384, %dma_wait3A_385] : memref<4x18432xf32, #tpu.memory_space<vmem>> -> memref<1x18432xf32, #tpu.memory_space<vmem>>
          tpu.wait_dma2 semaphore(%arg8 : memref<!tpu.dma_semaphore, #tpu.memory_space<semaphore_mem>>) src(%dma_wait3A_386 : memref<1x18432xf32, #tpu.memory_space<vmem>>) dst(%dma_wait3A_383 : memref<1x18432xf32, #tpu.memory_space<hbm>>)
        } else {
        }
        %convert_element_type3A_367 = arith.extui %and3A_136 : i1 to i32
        %cond3A_368 = arith.constant 0 : i32
        %cond3A_369 = arith.cmpi ne, %convert_element_type3A_367, %cond3A_368 : i32
        scf.if %cond3A_369 {
          %sub3A = arith.subi %squeeze3A_59, %mul3A_2 : i32
          %mul3A_375 = arith.constant 16 : i32
          %mul3A_376 = arith.muli %scan3A_24, %mul3A_375 : i32
          %add3A_377 = arith.constant 15 : i32
          %add3A_378 = arith.addi %mul3A_376, %add3A_377 : i32
          %dma_start3A_379 = arith.constant 0 : i32
          %dma_start3A_380 = tpu.memref_slice %arg6[%sub3A, %dma_start3A_379] : memref<4x18432xf32, #tpu.memory_space<vmem>> -> memref<1x18432xf32, #tpu.memory_space<vmem>>
          %dma_start3A_381 = arith.constant 0 : i32
          %dma_start3A_382 = tpu.memref_slice %arg4[%add3A_378, %dma_start3A_381] : memref<4096x18432xf32, #tpu.memory_space<hbm>> -> memref<1x18432xf32, #tpu.memory_space<hbm>>
          %dma_start3A_383 = arith.constant 0 : i32
          %dma_start3A_384 = tpu.memref_slice %arg4[%add3A_378, %dma_start3A_383] : memref<4096x18432xf32, #tpu.memory_space<hbm>> -> memref<1x18432xf32, #tpu.memory_space<hbm>>
          %dma_start3A_385 = arith.constant 0 : i32
          %dma_start3A_386 = tpu.memref_slice %arg6[%sub3A, %dma_start3A_385] : memref<4x18432xf32, #tpu.memory_space<vmem>> -> memref<1x18432xf32, #tpu.memory_space<vmem>>
          tpu.enqueue_dma source(%dma_start3A_386 : memref<1x18432xf32, #tpu.memory_space<vmem>>) target(%dma_start3A_384 : memref<1x18432xf32, #tpu.memory_space<hbm>>) target_semaphore(%arg8 : memref<!tpu.dma_semaphore, #tpu.memory_space<semaphore_mem>>)
        } else {
        }
        %add3A_370 = arith.constant 1 : i32
        %add3A_371 = arith.addi %select_n3A_360, %add3A_370 : i32
        %min3A_372 = arith.constant 32 : i32
        %min3A_373 = arith.minsi %add3A_371, %min3A_372 : i32
        %select_n3A_374 = arith.select %and3A_136, %min3A_373, %select_n3A_360 : i32
        scf.yield %select_n3A_374 : i32
      } else {
        scf.yield %scan3A_25 : i32
      }
      scf.yield %cond3A_152 : i32
    }
    %scan3A_14 = arith.constant 256 : i32
    %while3A = arith.constant 0 : i32
    %while3A_15 = arith.constant 0 : i32
    %while3A_16 = arith.subi %scan3A_13, %while3A_15 : i32
    %while3A_17 = arith.addi %while3A_15, %while3A_16 : i32
    %while3A_18 = arith.constant 1 : i32
    %while3A_19 = arith.divsi %while3A_16, %while3A_18 : i32
    %while3A_20 = arith.muli %while3A_19, %while3A_18 : i32
    %while3A_21 = arith.addi %while3A_15, %while3A_20 : i32
    %while3A_22 = arith.constant 1 : i32
    scf.for %while3A_24 = %while3A_15 to %while3A_21 step %while3A_22  : i32 {
      %dma_wait3A_25 = arith.constant 0 : i32
      %dma_wait3A_26 = arith.constant 0 : i32
      %dma_wait3A_27 = tpu.memref_slice %arg6[%dma_wait3A_25, %dma_wait3A_26] : memref<4x18432xf32, #tpu.memory_space<vmem>> -> memref<1x18432xf32, #tpu.memory_space<vmem>>
      %dma_wait3A_28 = arith.constant 0 : i32
      %dma_wait3A_29 = arith.constant 0 : i32
      %dma_wait3A_30 = tpu.memref_slice %arg4[%dma_wait3A_28, %dma_wait3A_29] : memref<4096x18432xf32, #tpu.memory_space<hbm>> -> memref<1x18432xf32, #tpu.memory_space<hbm>>
      %dma_wait3A_31 = arith.constant 0 : i32
      %dma_wait3A_32 = arith.constant 0 : i32
      %dma_wait3A_33 = tpu.memref_slice %arg4[%dma_wait3A_31, %dma_wait3A_32] : memref<4096x18432xf32, #tpu.memory_space<hbm>> -> memref<1x18432xf32, #tpu.memory_space<hbm>>
      %dma_wait3A_34 = arith.constant 0 : i32
      %dma_wait3A_35 = arith.constant 0 : i32
      %dma_wait3A_36 = tpu.memref_slice %arg6[%dma_wait3A_34, %dma_wait3A_35] : memref<4x18432xf32, #tpu.memory_space<vmem>> -> memref<1x18432xf32, #tpu.memory_space<vmem>>
      tpu.wait_dma2 semaphore(%arg8 : memref<!tpu.dma_semaphore, #tpu.memory_space<semaphore_mem>>) src(%dma_wait3A_36 : memref<1x18432xf32, #tpu.memory_space<vmem>>) dst(%dma_wait3A_33 : memref<1x18432xf32, #tpu.memory_space<hbm>>)
    }
    %while3A_23 = arith.constant 1 : i32
    scf.for %while3A_24 = %while3A_21 to %while3A_17 step %while3A_23  : i32 {
      %dma_wait3A_25 = arith.constant 0 : i32
      %dma_wait3A_26 = arith.constant 0 : i32
      %dma_wait3A_27 = tpu.memref_slice %arg6[%dma_wait3A_25, %dma_wait3A_26] : memref<4x18432xf32, #tpu.memory_space<vmem>> -> memref<1x18432xf32, #tpu.memory_space<vmem>>
      %dma_wait3A_28 = arith.constant 0 : i32
      %dma_wait3A_29 = arith.constant 0 : i32
      %dma_wait3A_30 = tpu.memref_slice %arg4[%dma_wait3A_28, %dma_wait3A_29] : memref<4096x18432xf32, #tpu.memory_space<hbm>> -> memref<1x18432xf32, #tpu.memory_space<hbm>>
      %dma_wait3A_31 = arith.constant 0 : i32
      %dma_wait3A_32 = arith.constant 0 : i32
      %dma_wait3A_33 = tpu.memref_slice %arg4[%dma_wait3A_31, %dma_wait3A_32] : memref<4096x18432xf32, #tpu.memory_space<hbm>> -> memref<1x18432xf32, #tpu.memory_space<hbm>>
      %dma_wait3A_34 = arith.constant 0 : i32
      %dma_wait3A_35 = arith.constant 0 : i32
      %dma_wait3A_36 = tpu.memref_slice %arg6[%dma_wait3A_34, %dma_wait3A_35] : memref<4x18432xf32, #tpu.memory_space<vmem>> -> memref<1x18432xf32, #tpu.memory_space<vmem>>
      tpu.wait_dma2 semaphore(%arg8 : memref<!tpu.dma_semaphore, #tpu.memory_space<semaphore_mem>>) src(%dma_wait3A_36 : memref<1x18432xf32, #tpu.memory_space<vmem>>) dst(%dma_wait3A_33 : memref<1x18432xf32, #tpu.memory_space<hbm>>)
    }
    return
  }
}

</mosaic_0001>

<sc_bundles>
// kernel: kernel.3.cloned.1.call-start
scs
__scs_entry_jumppad:
0x0: {  	(pc) =	sbr.rel $0x88, $3  }
0x1: {  	(tag) =	ssettag $0x0;
	lr =	simm.s32 $0x1  }
0x2: {  	[smem:$0x3F9F] =	sst lr;
	_ =	strace $0xD0000000  }
0x3: {  	_ = 	snop  }
0x4: {  	_ = 	snop  }
0x5: {  	_ = 	snop  }
0x6: {  	_ = 	snop  }
0x7: {  	_ = 	snop  }
__scs_overlays_trampoline_lowered:
0x8: {  	[smem:$0x3FAE] =	sst s0  }
0x9: {  	[smem:$0x3FAF] =	sst s1  }
0xa: {  	[smem:$0x3FB0] =	sst s2  }
0xb: {  	[smem:$0x3FB1] =	sst s3  }
0xc: {  	[smem:$0x3FB2] =	sst s4  }
0xd: {  	[smem:$0x3FB3] =	sst s5  }
0xe: {  	[smem:$0x3FB4] =	sst s6  }
0xf: {  	[smem:$0x3FB5] =	sst s7  }
0x10: {  	[smem:$0x3FB6] =	sst s8  }
0x11: {  	[smem:$0x3FB7] =	sst s9;
	s0 =	simm.s32 @!p0 $0x0  }
0x12: {  	s1 =	sld [smem:$0x3F9D];
	s0 =	simm.s32 @p0 $0x1  }
0x13: {  	[smem:$0x3FB8] =	sst s0;
	s0 =	simm.s32 @!p1 $0x0  }
0x14: {  	s2 =	sld [smem:$0x3F9C];
	s0 =	simm.s32 @p1 $0x1  }
0x15: {  	[smem:$0x3FB9] =	sst s0;
	s0 =	simm.s32 @!p2 $0x0  }
0x16: {  	s3 =	sld [smem:$0x3FDB];
	s0 =	simm.s32 @p2 $0x1  }
0x17: {  	s4 =	simm.s32 $0x1BF5;
	[smem:$0x3FBB] =	sst s0  }
0x18: {  	s0 =	sld [smem:$0x3F9E];
	_ =	swait.ge [sflag:s4], $0x0  }
0x19: {  	s7 =	sld [smem:$0x3F9F]  }
0x1a: {  	s8 =	sadd.s32 $0xFFFFE003, lr  }
0x1b: {  	s9 =	sadd.s32 $0xFFFFFEF7, lr;
	s5 =	simm.s32 $0xFFFFFFFF;
	p2 =	slt.u32 s8, $0xFFFFF086  }
0x1c: {  	p1 =	slt.u32 s9, $0xF7A;
	s5 =	simm.s32 @!p2 $0x0  }
0x1d: {  	s5 =	simm.s32 @p1 $0x1;
	p0 =	seq.s32 s7, s2  }
0x1e: {  	s7 =	smul.u32 @!p0 $0xF7A, s2;
	p2 =	seq.s32 @!p0 s5, $0x0  }
0x1f: {  	s9 =	smul.u32 $0xF7A, s1;
	s8 =	simm.s32 @!p0 $0x1BF5;
	p2 =	por !p2, p0  }
0x20: {  	[sflag:s8] =	ssyncset.s32 @!p0 $0xFFFFF086;
	s6 =	sadd.s32 @!p0 s3, s7;
	s7 =	simm.s32 @!p0 $0x108  }
0x21: {  	s3 =	sadd.s32 s3, s9;
	s6 =	sadd.s32 @!p0 $0x88, s6;
	s7 =	simm.s32 @p2 $0x1082  }
0x22: {  	[simem:s7], [sflag:s8] =	dma.local @!p0 [hbm:s6], $0xF7A  }
0x23: {  	s9 =	sor.u32 $0xD0000000, s2;
	s6 =	simm.s32 $0x108;
	_ =	swait.ge @!p0 [sflag:s8], $0x0  }
0x24: {  	s3 =	sadd.s32 $0x88, s3;
	s6 =	simm.s32 @!p1 $0x1082;
	[sflag:s4] =	ssyncset.s32 $0xFFFFF086  }
0x25: {  	[simem:s6], [sflag:s4] =	dma.local [hbm:s3], $0xF7A  }
0x26: {  	[smem:$0x3F9F] =	sst s1;
	(tag) =	ssettag s2;
	_ =	strace s9  }
0x27: {  	s1 =	sld [smem:$0x3FAF]  }
0x28: {  	s2 =	sld [smem:$0x3FB0]  }
0x29: {  	s4 =	sld [smem:$0x3FB2]  }
0x2a: {  	p0 =	seq.s32 s5, $0x0;
	s5 =	sld [smem:$0x3FB3]  }
0x2b: {  	s6 =	sld [smem:$0x3FB4]  }
0x2c: {  	s7 =	sld [smem:$0x3FB5]  }
0x2d: {  	s3 =	simm.s32 $0x108;
	s8 =	sld [smem:$0x3FB6]  }
0x2e: {  	s3 =	simm.s32 @!p0 $0x1082;
	s9 =	sld [smem:$0x3FB7]  }
0x2f: {  	lr =	sadd.s32 s0, s3;
	s0 =	sld [smem:$0x3FAE]  }
0x30: {  	s3 =	sld [smem:$0x3FB1]  }
0x31: {  	[smem:$0x3FBA] =	sst s10  }
0x32: {  	s10 =	sld [smem:$0x3FB8];
	_ =	sdelay $0x3  }
0x33: {  	p0 =	seq.s32 s10, $0x1;
	s10 =	sld [smem:$0x3FBA];
	_ =	sdelay $0x3  }
0x34: {  	[smem:$0x3FBA] =	sst s10  }
0x35: {  	s10 =	sld [smem:$0x3FB9];
	_ =	sdelay $0x3  }
0x36: {  	p1 =	seq.s32 s10, $0x1;
	s10 =	sld [smem:$0x3FBA];
	_ =	sdelay $0x3  }
0x37: {  	[smem:$0x3FBA] =	sst s10  }
0x38: {  	s10 =	sld [smem:$0x3FBB]  }
0x39: {  	_ = 	snop;
	(pc) =	sbr.ind lr, $3  }
0x3a: {  	_ = 	snop  }
0x3b: {  	_ = 	snop  }
0x3c: {  	p2 =	seq.s32 s10, $0x1;
	s10 =	sld [smem:$0x3FBA]  }
0x3d: {  	_ =	shalt  }
0x3e: {  	_ =	shalt  }
0x3f: {  	_ =	shalt  }
0x40: {  	_ =	shalt  }
0x41: {  	_ =	shalt  }
0x42: {  	_ =	shalt  }
0x43: {  	_ =	shalt  }
0x44: {  	_ =	shalt  }
0x45: {  	_ =	shalt  }
0x46: {  	_ =	shalt  }
0x47: {  	_ =	shalt  }
0x48: {  	_ =	shalt  }
0x49: {  	_ =	shalt  }
0x4a: {  	_ =	shalt  }
0x4b: {  	_ =	shalt  }
0x4c: {  	_ =	shalt  }
0x4d: {  	_ =	shalt  }
0x4e: {  	_ =	shalt  }
0x4f: {  	_ =	shalt  }
0x50: {  	_ =	shalt  }
0x51: {  	_ =	shalt  }
0x52: {  	_ =	shalt  }
0x53: {  	_ =	shalt  }
0x54: {  	_ =	shalt  }
0x55: {  	_ =	shalt  }
0x56: {  	_ =	shalt  }
0x57: {  	_ =	shalt  }
0x58: {  	_ =	shalt  }
0x59: {  	_ =	shalt  }
0x5a: {  	_ =	shalt  }
0x5b: {  	_ =	shalt  }
0x5c: {  	_ =	shalt  }
0x5d: {  	_ =	shalt  }
0x5e: {  	_ =	shalt  }
0x5f: {  	_ =	shalt  }
0x60: {  	_ =	shalt  }
0x61: {  	_ =	shalt  }
0x62: {  	_ =	shalt  }
0x63: {  	_ =	shalt  }
0x64: {  	_ =	shalt  }
0x65: {  	_ =	shalt  }
0x66: {  	_ =	shalt  }
0x67: {  	_ =	shalt  }
0x68: {  	_ =	shalt  }
0x69: {  	_ =	shalt  }
0x6a: {  	_ =	shalt  }
0x6b: {  	_ =	shalt  }
0x6c: {  	_ =	shalt  }
0x6d: {  	_ =	shalt  }
0x6e: {  	_ =	shalt  }
0x6f: {  	_ =	shalt  }
0x70: {  	_ =	shalt  }
0x71: {  	_ =	shalt  }
0x72: {  	_ =	shalt  }
0x73: {  	_ =	shalt  }
0x74: {  	_ =	shalt  }
0x75: {  	_ =	shalt  }
0x76: {  	_ =	shalt  }
0x77: {  	_ =	shalt  }
0x78: {  	_ =	shalt  }
0x79: {  	_ =	shalt  }
0x7a: {  	_ =	shalt  }
0x7b: {  	_ =	shalt  }
0x7c: {  	_ =	shalt  }
0x7d: {  	_ =	shalt  }
0x7e: {  	_ =	shalt  }
0x7f: {  	_ =	shalt  }
0x80: {  	_ =	shalt  }
0x81: {  	_ =	shalt  }
0x82: {  	_ =	shalt  }
0x83: {  	_ =	shalt  }
0x84: {  	_ =	shalt  }
0x85: {  	_ =	shalt  }
0x86: {  	_ =	shalt  }
0x87: {  	_ =	shalt  }
.Lfunc_end0:
.L_simem_size_0:
called_computation_lowered:
.L_overlay_start_0:
0x88: {  	s2 =	sld [smem:$0x3FD9]  }
0x89: {  	s3 =	sld [smem:$0x3FFE];
	_ =	sdelay $0x1  }
0x8a: {  	s1 =	srdreg.scid  }
0x8b: {  	s0 =	sand.u32 $0x1, s1  }
0x8c: {  	s18 =	sshll.u32 s0, $0xA;
	s2 =	sadd.s32 s3, s2  }
0x8d: {  	s2 =	sadd.s32 s2, s18  }
0x8e: {  	[smem:$0x3FC6] =	sst s2  }
0x8f: {  	_ = 	snop  }
0x90: {  	s2 =	sld [smem:$0x3FC9]  }
0x91: {  	s19 =	sld [smem:$0x3FC8]  }
0x92: {  	s4 =	sld [smem:$0x3FD0];
	(tm) =	ssettm $0x1  }
0x93: {  	s5 =	sld [smem:$0x3FFB];
	_ =	sdelay $0x3  }
0x94: {  	_ =	strace s5  }
0x95: {  	s5 =	sld [smem:$0x3FFC];
	_ =	sdelay $0x3  }
0x96: {  	_ =	strace s5  }
0x97: {  	s5 =	sld [smem:$0x3FFD];
	_ =	sdelay $0x3  }
0x98: {  	_ =	strace s5  }
0x99: {  	_ =	strace $0x8FFFFFFF  }
0x9a: {  	s20 =	sld [smem:$0x3FDB];
	_ =	sdelay $0x1  }
0x9b: {  	s6 =	simm.s32 $_scs_section_size  }
0x9c: {  	s7 =	simm.s32 $_size__tile_overlayer_lowered;
	s8 =	simm.s32 $_tile_overlayer_lowered  }
0x9d: {  	s23 =	simm.s32 $0x1BFF;
	s22 =	sshll.u32 s8, $0x1;
	s5 =	sadd.s32 s6, s20  }
0x9e: {  	s9 =	simm.s32 $0x0;
	s21 =	sshll.u32 s7, $0x1;
	s7 =	sadd.s32 s22, s5  }
0x9f: {  	[timem:s9], [sflag:s23] =	dma.local [hbm:s7], s21  }
0xa0: {  	_ =	swait.ge [sflag:s23], s21  }
0xa1: {  	s6 =	ssub.s32 $0x0, s21;
	[sflag:s23] =	ssyncset.done $0x0  }
0xa2: {  	[sflag:s23] =	ssyncadd.s32 s6;
	_ =	sdelay $0x1  }
0xa3: {  	s24 =	simm.s32 $0x1B8B  }
0xa4: {  	_ =	swait.ge [sflag:s24], $0x1  }
0xa5: {  	[sflag:s24] =	ssyncset.done $0x0  }
0xa6: {  	s25 =	simm.s32 $0x1B8E;
	[sflag:s24] =	ssyncadd.s32 $0xFFFFFFFF  }
0xa7: {  	s26 =	simm.s32 $execute0_lowered;
	[smem:$0x3FD2] =	sst s25  }
0xa8: {  	s6 =	sshll.u32 s26, $0x1;
	_ =	strace $0x80000046;
	[dreg:$0x1] =	wrdreg $0xFFFFFFFF  }
0xa9: {  	s28 =	simm.s32 $_size_execute0_lowered;
	s5 =	sadd.s32 s5, s6;
	[dreg:$0x0] =	wrdreg $0x0  }
0xaa: {  	s6 =	sshll.u32 s28, $0x1;
	[dreg:$0x2] =	wrdreg s5  }
0xab: {  	[dreg:$0x3] =	wrdreg s6  }
0xac: {  	[dreg:$0x4] =	wrdreg $0xC0  }
0xad: {  	_ =	task [dreg:s9], $0x5FFFF  }
0xae: {  	[dreg:$0x1] =	wrdreg $0xFFFFFFFF  }
0xaf: {  	[dreg:$0x0] =	wrdreg $0x60  }
0xb0: {  	[dreg:$0x2] =	wrdreg s2  }
0xb1: {  	[dreg:$0x3] =	wrdreg s19  }
0xb2: {  	[dreg:$0x4] =	wrdreg s4  }
0xb3: {  	[dreg:$0x5] =	wrdreg $0x9  }
0xb4: {  	_ =	task.clear_ibuf [dreg:s9], $0x6FFFF;
	_ =	strace $0x90000046  }
0xb5: {  	s29 =	simm.s32 $0x9;
	_ =	strace $0x80000048  }
0xb6: {  	_ =	swait.ge [sflag:s29], $0x1  }
0xb7: {  	[sflag:s29] =	ssyncadd.s32 $0xFFFFFFFF  }
0xb8: {  	_ =	strace $0x90000048  }
0xb9: {  	_ =	sfence  }
0xba: {  	s30 =	sld [smem:$0x0];
	_ =	sdelay $0x2  }
0xbb: {  	s31 =	sshll.u32 s1, $0xD;
	s1 =	sshrl.u32 s1, $0x2  }
0xbc: {  	s3 =	sand.u32 $0x4000, s31;
	s1 =	sadd.s32 s1, s30  }
0xbd: {  	s0 =	sor.u32 s3, s0;
	s1 =	sshll.u32 s1, $0x11  }
0xbe: {  	s0 =	sor.u32 s1, s0  }
0xbf: {  	s0 =	sadd.s32 $0x8F2B, s0  }
0xc0: {  	[sflag:s0] =	ssyncadd.remote.s32 $0x1  }
0xc1: {  	_ =	sfence.sel $0xFFFF  }
0xc2: {  	[dreg:$0x0] =	wrdreg $0xFFFFFFFF;
	(pc) =	sbr.abs _section_cstart, $3  }
0xc3: {  	[dreg:$0x1] =	wrdreg $0xFFFFFFFF  }
0xc4: {  	_ =	task.clear_ibuf [dreg:s9], $0x2FFFF;
	_ =	strace $0x9FFFFFFF  }
0xc5: {  	(tm) =	ssettm $0x7FFFFFFF  }
tec
execute0_lowered:
.L_overlay_start_1:
0x0: {  	(tag) =	ssettag $0x1  }
0x1: {  	s18 =	rddreg [dreg:$0x0]  }
0x2: {  	s0 =	rddreg [dreg:$0x1]  }
0x3: {  	s8 =	rddreg [dreg:$0x2]  }
0x4: {  	s19 =	rddreg [dreg:$0x3]  }
0x5: {  	s1 =	srdreg.scid;
	s4 =	simm.s32 $0x0;
	s17 =	stileid.u32  }
0x6: {  	s20 =	simm.s32 $0x3;
	s21 =	simm.s32 $0x1;
	s22 =	simm.s32 $0x2  }
0x7: {  	s1 =	sand.u32 $0x1, s1;
	[smem:$0x7FF] =	sst s4;
	s3 =	smul.u32 $0x24000, s17  }
0x8: {  	s7 =	sshll.u32 s17, $0x3;
	s24 =	sadd.s32 $0x20, s8;
	s25 =	sadd.s32 $0x30, s8  }
0x9: {  	s26 =	sadd.s32 $0x40, s8;
	_ =	strace $0x80000047;
	[dreg:$0x5] =	wrdreg s24  }
0xa: {  	s28 =	sadd.s32 $0x50, s8;
	s29 =	sadd.s32 $0x60, s8;
	[dreg:$0x6] =	wrdreg s25  }
0xb: {  	s30 =	sadd.s32 $0x70, s8;
	s2 =	ssub.s32 $0x2, s1;
	[dreg:$0x7] =	wrdreg s26  }
0xc: {  	s6 =	sshll.u32 s1, $0x9;
	s1 =	sshll.u32 s1, $0x2;
	[dreg:$0x8] =	wrdreg s28  }
.Ltmp0:
0xd: {  	[dreg:$0x9] =	wrdreg s29;
	s5 =	sshrl.u32 s2, $0x1;
	(pc) =	sbr.rel .LBB2_1-.Ltmp0, $4  }
0xe: {  	[dreg:$0xa] =	wrdreg s30;
	s3 =	sor.u32 s6, s3;
	s2 =	ssub.s32 s2, s5  }
0xf: {  	s5 =	sor.u32 s1, s7;
	s23 =	sshrl.u32 s3, $0x3;
	s1 =	sadd.s32 $0x10, s8  }
0x10: {  	s6 =	sadd.s32 s0, s23;
	s7 =	sadd.s32 $0x4, s5;
	s31 =	ssub.s32 $0x0, s5  }
0x11: {  	s15 =	smax.u32 s2, $0x1;
	s23 =	simm.s32 $0x0;
	[dreg:$0xb] =	wrdreg s31  }
.LBB2_72:
0x12: {  	[sflag:s22] =	ssyncadd.s32 $0xFFFFB800  }
.LBB2_73:
0x13: {  	s23 =	sadd.s32 $0x1, s23  }
0x14: {  	p0 =	sne.s32 s23, s15  }
.Ltmp1:
0x15: {  	_ = 	snop;
	(pc) =	sbr.rel @!p0 .LBB2_74-.Ltmp1, $1  }
0x16: {  	_ =	sdelay $0x3  }
.LBB2_1:
0x17: {  	s0 =	simm.s32 $0x200;
	s2 =	simm.s32 $0x400;
	s3 =	simm.s32 $0x1000  }
0x18: {  	[tilespmem:s3], [sflag:$0x1] =	stream.strided.gather [hbm4b:s6+s0], $0x12000, s2, s0, $0x38;
	[tilespmem:$0x13000] =	vst v63  }
0x19: {  	_ = 	snop  }
0x1a: {  	[tilespmem:s4], [sflag:$0x3] =	stream.linear.gather [hbm4b:s18+s4], $0x1000, $0x38;
	[tilespmem:$0x13000] =	vst v63  }
0x1b: {  	_ =	swait.ge [sflag:s20], $0x1000  }
0x1c: {  	[sflag:s20] =	ssyncset.done $0x0  }
0x1d: {  	[sflag:s20] =	ssyncadd.s32 $0xFFFFF000  }
0x1e: {  	_ =	swait.ge [sflag:s21], $0x12000  }
0x1f: {  	[sflag:s21] =	ssyncset.done $0x0  }
0x20: {  	s24 =	simm.s32 $0x0;
	s25 =	simm.s32 $0x0;
	[sflag:s21] =	ssyncadd.s32 $0xFFFEE000  }
.LBB2_2:
0x21: {  	s0 =	sshll.u32 s25, $0x4  }
0x22: {  	s0 =	sand.u32 $0x3FFFFFF0, s0  }
0x23: {  	v0 =	vld [tilespmem:s0+$0x0];
	_ =	sdelay $0x4  }
0x24: {  	(v2sf) =	vpush v0, $0x0  }
0x25: {  	(v2sf) =	vpush v0, $0x1  }
0x26: {  	(v2sf) =	vpush v0, $0x2  }
0x27: {  	(v2sf) =	vpush v0, $0x3;
	_ =	sdelay $0x1  }
0x28: {  	(v2sf) =	vpush v0, $0x4  }
0x29: {  	(v2sf) =	vpush v0, $0x5  }
0x2a: {  	(v2sf) =	vpush v0, $0x6;
	_ =	sdelay $0x1  }
0x2b: {  	(v2sf) =	vpush v0, $0x7  }
0x2c: {  	(v2sf) =	vpush v0, $0x8;
	_ =	sdelay $0x1  }
0x2d: {  	(v2sf) =	vpush v0, $0x9  }
0x2e: {  	(v2sf) =	vpush v0, $0xA  }
0x2f: {  	(v2sf) =	vpush v0, $0xB  }
0x30: {  	s3 =	spop (v2sf)  }
0x31: {  	(v2sf) =	vpush v0, $0xC;
	s2 =	spop (v2sf)  }
0x32: {  	p0 =	sge.s32 s3, s5;
	p1 =	slt.s32 s3, s7;
	s16 =	spop (v2sf)  }
0x33: {  	p0 =	por !p0, !p1;
	s14 =	spop (v2sf)  }
0x34: {  	(v2sf) =	vpush v0, $0xD;
	s26 =	simm.s32 @!p0 $0x0;
	p5 =	sge.s32 s16, s5;
	p6 =	slt.s32 s16, s7  }
0x35: {  	(v2sf) =	vpush v0, $0xE;
	s13 =	spop (v2sf);
	s26 =	simm.s32 @p0 $0x1;
	p0 =	por !p5, !p6  }
0x36: {  	s12 =	spop (v2sf);
	[smem:$0x7FB] =	sst s26;
	p2 =	sge.s32 s13, s5  }
0x37: {  	p3 =	slt.s32 s13, s7;
	s26 =	simm.s32 @!p0 $0x0;
	s11 =	spop (v2sf)  }
0x38: {  	s26 =	simm.s32 @p0 $0x1;
	p0 =	por !p2, !p3;
	p3 =	sge.s32 s12, s5  }
0x39: {  	(v2sf) =	vpush v0, $0xF;
	s10 =	spop (v2sf);
	[smem:$0x7F9] =	sst s26;
	s26 =	simm.s32 @!p0 $0x0  }
0x3a: {  	p4 =	slt.s32 s12, s7;
	s9 =	spop (v2sf);
	s26 =	simm.s32 @p0 $0x1  }
0x3b: {  	p5 =	sge.s32 s10, s5;
	p6 =	slt.s32 s10, s7;
	p0 =	por !p3, !p4  }
0x3c: {  	s8 =	spop (v2sf);
	[smem:$0x7F8] =	sst s26;
	s26 =	simm.s32 @!p0 $0x0  }
0x3d: {  	p2 =	slt.s32 s9, s7;
	s0 =	spop (v2sf);
	s26 =	simm.s32 @p0 $0x1  }
0x3e: {  	p0 =	por !p5, !p6;
	s31 =	spop (v2sf);
	[smem:$0x7F6] =	sst s26  }
0x3f: {  	s26 =	simm.s32 @!p0 $0x0;
	p6 =	sge.s32 s0, s5;
	p4 =	slt.s32 s0, s7  }
0x40: {  	s30 =	spop (v2sf);
	s26 =	simm.s32 @p0 $0x1;
	p0 =	sge.s32 s9, s5  }
0x41: {  	p5 =	sge.s32 s31, s5;
	[smem:$0x7F4] =	sst s26;
	p1 =	por !p0, !p2  }
0x42: {  	p0 =	por !p6, !p4;
	p6 =	slt.s32 s31, s7;
	s26 =	simm.s32 @!p1 $0x0  }
0x43: {  	p6 =	por !p5, !p6;
	s26 =	simm.s32 @p1 $0x1;
	s29 =	spop (v2sf)  }
0x44: {  	[smem:$0x7F1] =	sst s26;
	s26 =	simm.s32 @!p0 $0x0;
	s28 =	spop (v2sf)  }
0x45: {  	s26 =	simm.s32 @p0 $0x1;
	p0 =	sge.s32 s28, s5;
	p5 =	slt.s32 s28, s7  }
0x46: {  	p3 =	por !p0, !p5  }
0x47: {  	[smem:$0x7EF] =	sst s26;
	p3 =	por !p3, !p3  }
0x48: {  	s26 =	spop (v2sf);
	[smem:$0x7FC] =	sst s0;
	s0 =	simm.s32 @!p3 $0x0  }
0x49: {  	s0 =	simm.s32 @p3 $0x1  }
0x4a: {  	[smem:$0x7EB] =	sst s0  }
0x4b: {  	p1 =	sge.s32 s26, s5;
	p0 =	slt.s32 s26, s7;
	s0 =	sld [smem:$0x7FC]  }
0x4c: {  	p0 =	por !p1, !p0  }
0x4d: {  	p5 =	por !p0, !p0  }
0x4e: {  	[smem:$0x7FC] =	sst s0;
	s0 =	simm.s32 @!p5 $0x0  }
0x4f: {  	s0 =	simm.s32 @p5 $0x1  }
0x50: {  	[smem:$0x7EC] =	sst s0  }
0x51: {  	p2 =	sge.s32 s29, s5;
	p4 =	slt.s32 s29, s7;
	s0 =	sld [smem:$0x7FC]  }
0x52: {  	p4 =	por !p2, !p4  }
0x53: {  	p0 =	por !p4, !p4  }
0x54: {  	[smem:$0x7FC] =	sst s0;
	s0 =	simm.s32 @!p0 $0x0  }
0x55: {  	s0 =	simm.s32 @p0 $0x1  }
0x56: {  	[smem:$0x7ED] =	sst s0  }
0x57: {  	p2 =	slt.s32 s30, s7;
	p1 =	sge.s32 s30, s5;
	s0 =	sld [smem:$0x7FC]  }
0x58: {  	p1 =	por !p1, !p2  }
0x59: {  	p2 =	por !p1, !p1  }
0x5a: {  	[smem:$0x7FC] =	sst s0;
	s0 =	simm.s32 @!p2 $0x0  }
0x5b: {  	s0 =	simm.s32 @p2 $0x1  }
0x5c: {  	[smem:$0x7EE] =	sst s0  }
0x5d: {  	s0 =	sld [smem:$0x7FC];
	_ =	sdelay $0x2  }
0x5e: {  	[smem:$0x7FC] =	sst s0  }
0x5f: {  	s0 =	sld [smem:$0x7EF];
	_ =	sdelay $0x1  }
0x60: {  	p5 =	por p5, p3  }
0x61: {  	p0 =	por p5, p0;
	p5 =	seq.s32 s0, $0x1;
	s0 =	sld [smem:$0x7FC]  }
0x62: {  	_ = 	snop  }
0x63: {  	p3 =	por !p6, !p6  }
0x64: {  	[smem:$0x7FC] =	sst s0;
	s0 =	simm.s32 @!p3 $0x0  }
0x65: {  	s0 =	simm.s32 @p3 $0x1  }
0x66: {  	[smem:$0x7F0] =	sst s0  }
0x67: {  	s0 =	sld [smem:$0x7FC];
	_ =	sdelay $0x2  }
0x68: {  	[smem:$0x7FC] =	sst s0  }
0x69: {  	s0 =	sld [smem:$0x7F1];
	_ =	sdelay $0x2  }
0x6a: {  	p6 =	seq.s32 s0, $0x1;
	s0 =	sld [smem:$0x7FC]  }
0x6b: {  	p4 =	slt.s32 s8, s7;
	p0 =	por p0, p2;
	p2 =	sge.s32 s8, s5  }
0x6c: {  	p1 =	por !p2, !p4;
	p2 =	por !p5, !p5  }
0x6d: {  	[smem:$0x7FC] =	sst s0;
	s0 =	simm.s32 @!p2 $0x0  }
0x6e: {  	s0 =	simm.s32 @p2 $0x1  }
0x6f: {  	[smem:$0x7F2] =	sst s0  }
0x70: {  	s0 =	sld [smem:$0x7FC];
	_ =	sdelay $0x1  }
0x71: {  	p1 =	por !p1, !p1  }
0x72: {  	[smem:$0x7FC] =	sst s0;
	s0 =	simm.s32 @!p1 $0x0  }
0x73: {  	s0 =	simm.s32 @p1 $0x1  }
0x74: {  	[smem:$0x7F3] =	sst s0  }
0x75: {  	s0 =	sld [smem:$0x7FC];
	_ =	sdelay $0x2  }
0x76: {  	[smem:$0x7FC] =	sst s0  }
0x77: {  	s0 =	sld [smem:$0x7F4];
	_ =	sdelay $0x2  }
0x78: {  	p5 =	seq.s32 s0, $0x1;
	s0 =	sld [smem:$0x7FC];
	_ =	sdelay $0x1  }
0x79: {  	p0 =	por p0, p3;
	p3 =	por !p6, !p6  }
0x7a: {  	[smem:$0x7FC] =	sst s0;
	s0 =	simm.s32 @!p3 $0x0  }
0x7b: {  	s0 =	simm.s32 @p3 $0x1  }
0x7c: {  	[smem:$0x7F5] =	sst s0  }
0x7d: {  	s0 =	sld [smem:$0x7FC];
	_ =	sdelay $0x2  }
0x7e: {  	[smem:$0x7FC] =	sst s0  }
0x7f: {  	s0 =	sld [smem:$0x7F6];
	_ =	sdelay $0x2  }
0x80: {  	p6 =	seq.s32 s0, $0x1;
	s0 =	sld [smem:$0x7FC]  }
0x81: {  	p4 =	slt.s32 s11, s7;
	p0 =	por p0, p2;
	p2 =	sge.s32 s11, s5  }
0x82: {  	p0 =	por p0, p1;
	p1 =	por !p2, !p4;
	p4 =	por !p5, !p5  }
0x83: {  	[smem:$0x7FC] =	sst s0;
	s0 =	simm.s32 @!p4 $0x0  }
0x84: {  	s0 =	simm.s32 @p4 $0x1  }
0x85: {  	[smem:$0x7F7] =	sst s0  }
0x86: {  	s0 =	sld [smem:$0x7FC];
	_ =	sdelay $0x2  }
0x87: {  	[smem:$0x7FC] =	sst s0  }
0x88: {  	s0 =	sld [smem:$0x7F8];
	_ =	sdelay $0x1  }
0x89: {  	p0 =	por p0, p3  }
0x8a: {  	p0 =	por p0, p4;
	p4 =	seq.s32 s0, $0x1;
	s0 =	sld [smem:$0x7FC]  }
0x8b: {  	_ =	sdelay $0x1  }
0x8c: {  	[smem:$0x7FC] =	sst s0  }
0x8d: {  	s0 =	sld [smem:$0x7F9];
	_ =	sdelay $0x1  }
0x8e: {  	p2 =	sge.s32 s14, s5;
	p5 =	por !p1, !p1;
	p3 =	slt.s32 s14, s7  }
0x8f: {  	p1 =	por !p2, !p3;
	p3 =	seq.s32 s0, $0x1;
	s0 =	sld [smem:$0x7FC]  }
0x90: {  	_ = 	snop  }
0x91: {  	p1 =	por !p1, !p1  }
0x92: {  	[smem:$0x7FC] =	sst s0;
	s0 =	simm.s32 @!p1 $0x0  }
0x93: {  	s0 =	simm.s32 @p1 $0x1  }
0x94: {  	[smem:$0x7FA] =	sst s0  }
0x95: {  	s0 =	sld [smem:$0x7FC];
	_ =	sdelay $0x2  }
0x96: {  	p0 =	por p0, p5;
	p6 =	por !p6, !p6;
	[smem:$0x7FC] =	sst s0  }
0x97: {  	p0 =	por p0, p6;
	p4 =	por !p4, !p4;
	s0 =	sld [smem:$0x7FB]  }
0x98: {  	p0 =	por p0, p4  }
0x99: {  	p2 =	slt.s32 s2, s7;
	p0 =	por p0, p1;
	p1 =	sge.s32 s2, s5  }
0x9a: {  	p2 =	por !p1, !p2;
	p1 =	seq.s32 s0, $0x1;
	s0 =	sld [smem:$0x7FC]  }
0x9b: {  	_ = 	snop  }
0x9c: {  	p3 =	por !p3, !p3  }
0x9d: {  	[smem:$0x7FC] =	sst s0;
	s0 =	simm.s32 @!p3 $0x0  }
0x9e: {  	p1 =	por !p1, !p1;
	s0 =	simm.s32 @p3 $0x1;
	p3 =	por p0, p3  }
0x9f: {  	p0 =	por !p2, !p2;
	p3 =	por p3, p1  }
0xa0: {  	p2 =	por p3, p0  }
.Ltmp2:
0xa1: {  	_ = 	snop;
	(pc) =	sbr.rel @p2 .LBB2_3-.Ltmp2, $3  }
0xa2: {  	_ =	sdelay $0x1  }
0xa3: {  	[smem:$0x7FD] =	sst s0  }
0xa4: {  	s0 =	sld [smem:$0x7FC]  }
.LBB2_68:
0xa5: {  	s25 =	sadd.s32 $0x1, s25  }
0xa6: {  	p0 =	seq.s32 s25, $0x100  }
.Ltmp3:
0xa7: {  	_ = 	snop;
	(pc) =	sbr.rel @!p0 .LBB2_2-.Ltmp3, $4  }
.Ltmp4:
0xa8: {  	_ = 	snop;
	(pc) =	sbr.rel @p0 .LBB2_69-.Ltmp4, $4  }
0xa9: {  	_ = 	snop  }
0xaa: {  	_ = 	snop  }
0xab: {  	_ = 	snop  }
0xac: {  	_ = 	snop  }
.LBB2_3:
0xad: {  	_ =	sdelay $0x1  }
0xae: {  	[smem:$0x7FC] =	sst s0;
	s0 =	simm.s32 @!p4 $0x0  }
0xaf: {  	s0 =	simm.s32 @p4 $0x1  }
0xb0: {  	[smem:$0x7E8] =	sst s0  }
0xb1: {  	s0 =	sld [smem:$0x7FC];
	_ =	sdelay $0x2  }
0xb2: {  	[smem:$0x7FC] =	sst s0;
	s0 =	simm.s32 @!p6 $0x0  }
0xb3: {  	s0 =	simm.s32 @p6 $0x1  }
0xb4: {  	[smem:$0x7E9] =	sst s0  }
0xb5: {  	s0 =	sld [smem:$0x7FC];
	_ =	sdelay $0x2  }
0xb6: {  	[smem:$0x7FC] =	sst s0;
	s0 =	simm.s32 @!p5 $0x0  }
0xb7: {  	s0 =	simm.s32 @p5 $0x1  }
0xb8: {  	p2 =	slt.s32 s24, $0x20;
	p3 =	por !p1, !p1;
	[smem:$0x7EA] =	sst s0  }
0xb9: {  	p2 =	por p2, p3;
	s0 =	sld [smem:$0x7FC]  }
0xba: {  	[dreg:$0x4] =	wrdreg s1;
	s1 =	simm.s32 @!p2 $0x2  }
0xbb: {  	_ =	swait.ge @!p2 [sflag:s1], $0x4800  }
0xbc: {  	[sflag:s1] =	ssyncset.done @!p2 $0x0  }
0xbd: {  	[sflag:s1] =	ssyncadd.s32 @!p2 $0xFFFFB800;
	s1 =	smul.u32 $0x9000, s25;
	_ =	sdelay $0x1  }
0xbe: {  	[dreg:$0xc] =	wrdreg s1  }
0xbf: {  	s1 =	sld [smem:$0x7EB];
	_ =	sdelay $0x2  }
0xc0: {  	p3 =	seq.s32 s1, $0x1;
	s1 =	sld [smem:$0x7EE];
	_ =	sdelay $0x2  }
0xc1: {  	p5 =	seq.s32 s1, $0x1;
	s1 =	sld [smem:$0x7FA];
	_ =	sdelay $0x1  }
.Ltmp5:
0xc2: {  	_ = 	snop;
	(pc) =	sbr.rel @!p1 .LBB2_7-.Ltmp5, $2  }
0xc3: {  	p4 =	seq.s32 s1, $0x1;
	s1 =	sld [smem:$0x7FD];
	_ =	sdelay $0x2  }
0xc4: {  	p6 =	seq.s32 s1, $0x1  }
0xc5: {  	s1 =	rddreg [dreg:$0xb]  }
0xc6: {  	s1 =	sadd.s32 s3, s1  }
0xc7: {  	s1 =	sshrl.u32 s1, $0x2  }
0xc8: {  	s18 =	sand.u32 $0x3, s3;
	s1 =	smul.u32 $0x48000, s1  }
0xc9: {  	s3 =	sshll.u32 s18, $0x9  }
0xca: {  	s19 =	rddreg [dreg:$0x2];
	s1 =	sor.u32 s3, s1  }
0xcb: {  	s17 =	rddreg [dreg:$0xc];
	s1 =	sshra.s32 s1, $0x2  }
0xcc: {  	s3 =	sadd.s32 s19, s17;
	s1 =	sor.u32 $0x1000, s1  }
0xcd: {  	s17 =	simm.s32 $0x80;
	s19 =	sadd.s32 $0x0, s3;
	s18 =	sadd.s32 $0x200, s1  }
.LBB2_5:
0xce: {  	[hbm4b:s19+s4] =	stream.linear.scatter [tilespmem:s1], [sflag:$0x2], $0x80, $0x38;
	[tilespmem:$0x13000] =	vst v63  }
0xcf: {  	s19 =	smov.u32 s17;
	s1 =	smov.u32 s18;
	p2 =	sne.s32 s17, $0x4780  }
.Ltmp6:
0xd0: {  	s17 =	sadd.s32 $0x80, s17;
	(pc) =	sbr.rel @p2 .LBB2_5-.Ltmp6, $2  }
0xd1: {  	_ =	sdelay $0x2  }
0xd2: {  	s18 =	sadd.s32 $0x200, s18;
	s19 =	sadd.s32 s19, s3  }
0xd3: {  	[hbm4b:s19+s4] =	stream.linear.scatter [tilespmem:s1], [sflag:$0x2], $0x80, $0x38;
	[tilespmem:$0x13000] =	vst v63  }
0xd4: {  	s19 =	rddreg [dreg:$0x3]  }
0xd5: {  	s18 =	rddreg [dreg:$0x0];
	s17 =	stileid.u32  }
.LBB2_7:
0xd6: {  	p2 =	slt.s32 s24, $0x1F;
	s1 =	smov.u32 s24  }
0xd7: {  	s1 =	simm.s32 @!p2 $0x1F  }
0xd8: {  	s1 =	sadd.s32 $0x1, s1  }
0xd9: {  	s24 =	smov.u32 @p1 s1  }
0xda: {  	p2 =	por !p0, !p0;
	p1 =	slt.s32 s24, $0x20  }
0xdb: {  	p1 =	por p2, p1  }
0xdc: {  	s1 =	simm.s32 @!p1 $0x2  }
.Ltmp7:
0xdd: {  	_ =	swait.ge @!p1 [sflag:s1], $0x4800;
	(pc) =	sbr.rel @!p0 .LBB2_11-.Ltmp7, $3  }
0xde: {  	s3 =	sld [smem:$0x7EC];
	_ =	sdelay $0x1  }
0xdf: {  	[sflag:s1] =	ssyncset.done @!p1 $0x0  }
0xe0: {  	[sflag:s1] =	ssyncadd.s32 @!p1 $0xFFFFB800;
	p2 =	seq.s32 s3, $0x1  }
0xe1: {  	s1 =	rddreg [dreg:$0xb]  }
0xe2: {  	s1 =	sadd.s32 s2, s1  }
0xe3: {  	s1 =	sshrl.u32 s1, $0x2  }
0xe4: {  	s17 =	sand.u32 $0x3, s2;
	s1 =	smul.u32 $0x48000, s1  }
0xe5: {  	s2 =	sshll.u32 s17, $0x9  }
0xe6: {  	s18 =	rddreg [dreg:$0x4];
	s1 =	sor.u32 s2, s1  }
0xe7: {  	s3 =	rddreg [dreg:$0xc];
	s1 =	sshra.s32 s1, $0x2  }
0xe8: {  	s2 =	sadd.s32 s3, s18;
	s1 =	sor.u32 $0x1000, s1  }
0xe9: {  	s3 =	simm.s32 $0x80;
	s18 =	sadd.s32 $0x0, s2;
	s17 =	sadd.s32 $0x200, s1  }
.LBB2_9:
0xea: {  	[hbm4b:s18+s4] =	stream.linear.scatter [tilespmem:s1], [sflag:$0x2], $0x80, $0x38;
	[tilespmem:$0x13000] =	vst v63  }
0xeb: {  	s18 =	smov.u32 s3;
	s1 =	smov.u32 s17;
	p1 =	sne.s32 s3, $0x4780  }
.Ltmp8:
0xec: {  	s3 =	sadd.s32 $0x80, s3;
	(pc) =	sbr.rel @p1 .LBB2_9-.Ltmp8, $2  }
0xed: {  	_ =	sdelay $0x2  }
0xee: {  	s17 =	sadd.s32 $0x200, s17;
	s18 =	sadd.s32 s18, s2  }
0xef: {  	[hbm4b:s18+s4] =	stream.linear.scatter [tilespmem:s1], [sflag:$0x2], $0x80, $0x38;
	[tilespmem:$0x13000] =	vst v63  }
0xf0: {  	s18 =	rddreg [dreg:$0x0];
	s17 =	stileid.u32  }
.LBB2_11:
0xf1: {  	p1 =	slt.s32 s24, $0x1F;
	s1 =	smov.u32 s24  }
0xf2: {  	s1 =	simm.s32 @!p1 $0x1F  }
0xf3: {  	s1 =	sadd.s32 $0x1, s1  }
0xf4: {  	s24 =	smov.u32 @p0 s1  }
0xf5: {  	p1 =	por !p6, !p6;
	p0 =	slt.s32 s24, $0x20  }
.Ltmp9:
0xf6: {  	p0 =	por p1, p0;
	(pc) =	sbr.rel @!p6 .LBB2_15-.Ltmp9, $4  }
0xf7: {  	s1 =	simm.s32 @!p0 $0x2  }
0xf8: {  	_ =	swait.ge @!p0 [sflag:s1], $0x4800  }
0xf9: {  	[sflag:s1] =	ssyncset.done @!p0 $0x0  }
0xfa: {  	[sflag:s1] =	ssyncadd.s32 @!p0 $0xFFFFB800  }
0xfb: {  	s1 =	rddreg [dreg:$0xb]  }
0xfc: {  	s1 =	sadd.s32 s16, s1  }
0xfd: {  	s1 =	sshrl.u32 s1, $0x2  }
0xfe: {  	s2 =	sand.u32 $0x3, s16;
	s1 =	smul.u32 $0x48000, s1  }
0xff: {  	s2 =	sshll.u32 s2, $0x9  }
0x100: {  	s17 =	rddreg [dreg:$0x5];
	s1 =	sor.u32 s2, s1  }
0x101: {  	s3 =	rddreg [dreg:$0xc];
	s1 =	sshra.s32 s1, $0x2  }
0x102: {  	s2 =	sadd.s32 s3, s17;
	s1 =	sor.u32 $0x1000, s1  }
0x103: {  	s3 =	simm.s32 $0x80;
	s17 =	sadd.s32 $0x0, s2;
	s16 =	sadd.s32 $0x200, s1  }
.LBB2_13:
0x104: {  	[hbm4b:s17+s4] =	stream.linear.scatter [tilespmem:s1], [sflag:$0x2], $0x80, $0x38;
	[tilespmem:$0x13000] =	vst v63  }
0x105: {  	s17 =	smov.u32 s3;
	s1 =	smov.u32 s16;
	p0 =	sne.s32 s3, $0x4780  }
.Ltmp10:
0x106: {  	s3 =	sadd.s32 $0x80, s3;
	(pc) =	sbr.rel @p0 .LBB2_13-.Ltmp10, $2  }
0x107: {  	_ =	sdelay $0x2  }
0x108: {  	s16 =	sadd.s32 $0x200, s16;
	s17 =	sadd.s32 s17, s2  }
0x109: {  	[hbm4b:s17+s4] =	stream.linear.scatter [tilespmem:s1], [sflag:$0x2], $0x80, $0x38;
	[tilespmem:$0x13000] =	vst v63  }
0x10a: {  	s17 =	stileid.u32  }
.LBB2_15:
0x10b: {  	p0 =	slt.s32 s24, $0x1F;
	s1 =	smov.u32 s24  }
0x10c: {  	s1 =	simm.s32 @!p0 $0x1F  }
0x10d: {  	s1 =	sadd.s32 $0x1, s1  }
0x10e: {  	s24 =	smov.u32 @p6 s1  }
0x10f: {  	p1 =	por !p4, !p4;
	p6 =	slt.s32 s24, $0x20  }
0x110: {  	p0 =	por p1, p6  }
0x111: {  	s1 =	simm.s32 @!p0 $0x2  }
.Ltmp11:
0x112: {  	_ =	swait.ge @!p0 [sflag:s1], $0x4800;
	(pc) =	sbr.rel @!p4 .LBB2_19-.Ltmp11, $3  }
0x113: {  	s16 =	sld [smem:$0x7F0];
	_ =	sdelay $0x1  }
0x114: {  	[sflag:s1] =	ssyncset.done @!p0 $0x0  }
0x115: {  	[sflag:s1] =	ssyncadd.s32 @!p0 $0xFFFFB800;
	p6 =	seq.s32 s16, $0x1  }
0x116: {  	s1 =	rddreg [dreg:$0xb]  }
0x117: {  	s1 =	sadd.s32 s14, s1  }
0x118: {  	s1 =	sshrl.u32 s1, $0x2  }
0x119: {  	s2 =	sand.u32 $0x3, s14;
	s1 =	smul.u32 $0x48000, s1  }
0x11a: {  	s2 =	sshll.u32 s2, $0x9  }
0x11b: {  	s16 =	rddreg [dreg:$0x6];
	s1 =	sor.u32 s2, s1  }
0x11c: {  	s3 =	rddreg [dreg:$0xc];
	s1 =	sshra.s32 s1, $0x2  }
0x11d: {  	s2 =	sadd.s32 s3, s16;
	s1 =	sor.u32 $0x1000, s1  }
0x11e: {  	s3 =	simm.s32 $0x80;
	s16 =	sadd.s32 $0x0, s2;
	s14 =	sadd.s32 $0x200, s1  }
.LBB2_17:
0x11f: {  	[hbm4b:s16+s4] =	stream.linear.scatter [tilespmem:s1], [sflag:$0x2], $0x80, $0x38;
	[tilespmem:$0x13000] =	vst v63  }
0x120: {  	s16 =	smov.u32 s3;
	s1 =	smov.u32 s14;
	p0 =	sne.s32 s3, $0x4780  }
.Ltmp12:
0x121: {  	s3 =	sadd.s32 $0x80, s3;
	(pc) =	sbr.rel @p0 .LBB2_17-.Ltmp12, $2  }
0x122: {  	_ =	sdelay $0x2  }
0x123: {  	s14 =	sadd.s32 $0x200, s14;
	s16 =	sadd.s32 s16, s2  }
0x124: {  	[hbm4b:s16+s4] =	stream.linear.scatter [tilespmem:s1], [sflag:$0x2], $0x80, $0x38;
	[tilespmem:$0x13000] =	vst v63  }
.LBB2_19:
0x125: {  	p0 =	slt.s32 s24, $0x1F;
	s1 =	smov.u32 s24;
	s3 =	sld [smem:$0x7E8]  }
0x126: {  	s1 =	simm.s32 @!p0 $0x1F  }
0x127: {  	s1 =	sadd.s32 $0x1, s1  }
0x128: {  	s14 =	sld [smem:$0x7E8];
	s24 =	smov.u32 @p4 s1;
	p1 =	seq.s32 s3, $0x1  }
0x129: {  	p4 =	slt.s32 s24, $0x20;
	p1 =	por !p1, !p1  }
0x12a: {  	p0 =	por p1, p4  }
0x12b: {  	p1 =	seq.s32 s14, $0x1;
	s1 =	simm.s32 @!p0 $0x2  }
.Ltmp13:
0x12c: {  	_ =	swait.ge @!p0 [sflag:s1], $0x4800;
	(pc) =	sbr.rel @!p1 .LBB2_23-.Ltmp13, $3  }
0x12d: {  	s16 =	sld [smem:$0x7ED];
	_ =	sdelay $0x1  }
0x12e: {  	[sflag:s1] =	ssyncset.done @!p0 $0x0  }
0x12f: {  	[sflag:s1] =	ssyncadd.s32 @!p0 $0xFFFFB800;
	p4 =	seq.s32 s16, $0x1  }
0x130: {  	s1 =	rddreg [dreg:$0xb]  }
0x131: {  	s1 =	sadd.s32 s13, s1  }
0x132: {  	s1 =	sshrl.u32 s1, $0x2  }
0x133: {  	s2 =	sand.u32 $0x3, s13;
	s1 =	smul.u32 $0x48000, s1  }
0x134: {  	s2 =	sshll.u32 s2, $0x9  }
0x135: {  	s16 =	rddreg [dreg:$0x7];
	s1 =	sor.u32 s2, s1  }
0x136: {  	s3 =	rddreg [dreg:$0xc];
	s1 =	sshra.s32 s1, $0x2  }
0x137: {  	s2 =	sadd.s32 s3, s16;
	s1 =	sor.u32 $0x1000, s1  }
0x138: {  	s3 =	simm.s32 $0x80;
	s14 =	sadd.s32 $0x0, s2;
	s13 =	sadd.s32 $0x200, s1  }
.LBB2_21:
0x139: {  	[hbm4b:s14+s4] =	stream.linear.scatter [tilespmem:s1], [sflag:$0x2], $0x80, $0x38;
	[tilespmem:$0x13000] =	vst v63  }
0x13a: {  	s14 =	smov.u32 s3;
	s1 =	smov.u32 s13;
	p0 =	sne.s32 s3, $0x4780  }
.Ltmp14:
0x13b: {  	s3 =	sadd.s32 $0x80, s3;
	(pc) =	sbr.rel @p0 .LBB2_21-.Ltmp14, $2  }
0x13c: {  	_ =	sdelay $0x2  }
0x13d: {  	s13 =	sadd.s32 $0x200, s13;
	s14 =	sadd.s32 s14, s2  }
0x13e: {  	[hbm4b:s14+s4] =	stream.linear.scatter [tilespmem:s1], [sflag:$0x2], $0x80, $0x38;
	[tilespmem:$0x13000] =	vst v63  }
.LBB2_23:
0x13f: {  	p0 =	slt.s32 s24, $0x1F;
	s1 =	smov.u32 s24;
	s14 =	sld [smem:$0x7E9]  }
0x140: {  	s1 =	simm.s32 @!p0 $0x1F  }
0x141: {  	s16 =	sld [smem:$0x7E9];
	s1 =	sadd.s32 $0x1, s1  }
0x142: {  	s24 =	smov.u32 @p1 s1;
	p1 =	seq.s32 s14, $0x1  }
0x143: {  	p0 =	slt.s32 s24, $0x20;
	p1 =	por !p1, !p1  }
0x144: {  	p0 =	por p1, p0;
	p1 =	seq.s32 s16, $0x1  }
.Ltmp15:
0x145: {  	_ = 	snop;
	(pc) =	sbr.rel @!p1 .LBB2_27-.Ltmp15, $4  }
0x146: {  	s1 =	simm.s32 @!p0 $0x2  }
0x147: {  	_ =	swait.ge @!p0 [sflag:s1], $0x4800  }
0x148: {  	[sflag:s1] =	ssyncset.done @!p0 $0x0  }
0x149: {  	[sflag:s1] =	ssyncadd.s32 @!p0 $0xFFFFB800  }
0x14a: {  	s1 =	rddreg [dreg:$0xb]  }
0x14b: {  	s1 =	sadd.s32 s12, s1  }
0x14c: {  	s1 =	sshrl.u32 s1, $0x2  }
0x14d: {  	s2 =	sand.u32 $0x3, s12;
	s1 =	smul.u32 $0x48000, s1  }
0x14e: {  	s2 =	sshll.u32 s2, $0x9  }
0x14f: {  	s16 =	rddreg [dreg:$0x8];
	s1 =	sor.u32 s2, s1  }
0x150: {  	s3 =	rddreg [dreg:$0xc];
	s1 =	sshra.s32 s1, $0x2  }
0x151: {  	s2 =	sadd.s32 s3, s16;
	s1 =	sor.u32 $0x1000, s1  }
0x152: {  	s3 =	simm.s32 $0x80;
	s13 =	sadd.s32 $0x0, s2;
	s12 =	sadd.s32 $0x200, s1  }
.LBB2_25:
0x153: {  	[hbm4b:s13+s4] =	stream.linear.scatter [tilespmem:s1], [sflag:$0x2], $0x80, $0x38;
	[tilespmem:$0x13000] =	vst v63  }
0x154: {  	s13 =	smov.u32 s3;
	s1 =	smov.u32 s12;
	p0 =	sne.s32 s3, $0x4780  }
.Ltmp16:
0x155: {  	s3 =	sadd.s32 $0x80, s3;
	(pc) =	sbr.rel @p0 .LBB2_25-.Ltmp16, $2  }
0x156: {  	_ =	sdelay $0x2  }
0x157: {  	s12 =	sadd.s32 $0x200, s12;
	s13 =	sadd.s32 s13, s2  }
0x158: {  	[hbm4b:s13+s4] =	stream.linear.scatter [tilespmem:s1], [sflag:$0x2], $0x80, $0x38;
	[tilespmem:$0x13000] =	vst v63  }
.LBB2_27:
0x159: {  	p0 =	slt.s32 s24, $0x1F;
	s1 =	smov.u32 s24;
	s14 =	sld [smem:$0x7EA]  }
0x15a: {  	s1 =	simm.s32 @!p0 $0x1F  }
0x15b: {  	s16 =	sld [smem:$0x7EA];
	s1 =	sadd.s32 $0x1, s1  }
0x15c: {  	s24 =	smov.u32 @p1 s1;
	p1 =	seq.s32 s14, $0x1  }
0x15d: {  	p0 =	slt.s32 s24, $0x20;
	p1 =	por !p1, !p1  }
0x15e: {  	p0 =	por p1, p0;
	p1 =	seq.s32 s16, $0x1  }
.Ltmp17:
0x15f: {  	_ = 	snop;
	(pc) =	sbr.rel @!p1 .LBB2_31-.Ltmp17, $4  }
0x160: {  	s1 =	simm.s32 @!p0 $0x2  }
0x161: {  	_ =	swait.ge @!p0 [sflag:s1], $0x4800  }
0x162: {  	[sflag:s1] =	ssyncset.done @!p0 $0x0  }
0x163: {  	[sflag:s1] =	ssyncadd.s32 @!p0 $0xFFFFB800  }
0x164: {  	s1 =	rddreg [dreg:$0xb]  }
0x165: {  	s1 =	sadd.s32 s11, s1  }
0x166: {  	s1 =	sshrl.u32 s1, $0x2  }
0x167: {  	s2 =	sand.u32 $0x3, s11;
	s1 =	smul.u32 $0x48000, s1  }
0x168: {  	s2 =	sshll.u32 s2, $0x9  }
0x169: {  	s16 =	rddreg [dreg:$0x9];
	s1 =	sor.u32 s2, s1  }
0x16a: {  	s3 =	rddreg [dreg:$0xc];
	s1 =	sshra.s32 s1, $0x2  }
0x16b: {  	s2 =	sadd.s32 s3, s16;
	s1 =	sor.u32 $0x1000, s1  }
0x16c: {  	s3 =	simm.s32 $0x80;
	s12 =	sadd.s32 $0x0, s2;
	s11 =	sadd.s32 $0x200, s1  }
.LBB2_29:
0x16d: {  	[hbm4b:s12+s4] =	stream.linear.scatter [tilespmem:s1], [sflag:$0x2], $0x80, $0x38;
	[tilespmem:$0x13000] =	vst v63  }
0x16e: {  	s12 =	smov.u32 s3;
	s1 =	smov.u32 s11;
	p0 =	sne.s32 s3, $0x4780  }
.Ltmp18:
0x16f: {  	s3 =	sadd.s32 $0x80, s3;
	(pc) =	sbr.rel @p0 .LBB2_29-.Ltmp18, $2  }
0x170: {  	_ =	sdelay $0x2  }
0x171: {  	s11 =	sadd.s32 $0x200, s11;
	s12 =	sadd.s32 s12, s2  }
0x172: {  	[hbm4b:s12+s4] =	stream.linear.scatter [tilespmem:s1], [sflag:$0x2], $0x80, $0x38;
	[tilespmem:$0x13000] =	vst v63  }
.LBB2_31:
0x173: {  	p0 =	slt.s32 s24, $0x1F;
	s1 =	smov.u32 s24;
	s14 =	sld [smem:$0x7F7]  }
0x174: {  	s1 =	simm.s32 @!p0 $0x1F  }
0x175: {  	s16 =	sld [smem:$0x7F7];
	s1 =	sadd.s32 $0x1, s1  }
0x176: {  	s24 =	smov.u32 @p1 s1;
	p1 =	seq.s32 s14, $0x1  }
0x177: {  	p0 =	slt.s32 s24, $0x20;
	p1 =	por !p1, !p1  }
0x178: {  	p0 =	por p1, p0;
	p1 =	seq.s32 s16, $0x1  }
.Ltmp19:
0x179: {  	_ = 	snop;
	(pc) =	sbr.rel @!p1 .LBB2_35-.Ltmp19, $4  }
0x17a: {  	s1 =	simm.s32 @!p0 $0x2  }
0x17b: {  	_ =	swait.ge @!p0 [sflag:s1], $0x4800  }
0x17c: {  	[sflag:s1] =	ssyncset.done @!p0 $0x0  }
0x17d: {  	[sflag:s1] =	ssyncadd.s32 @!p0 $0xFFFFB800  }
0x17e: {  	s1 =	rddreg [dreg:$0xb]  }
0x17f: {  	s1 =	sadd.s32 s10, s1  }
0x180: {  	s1 =	sshrl.u32 s1, $0x2  }
0x181: {  	s2 =	sand.u32 $0x3, s10;
	s1 =	smul.u32 $0x48000, s1  }
0x182: {  	s2 =	sshll.u32 s2, $0x9  }
0x183: {  	s16 =	rddreg [dreg:$0xa];
	s1 =	sor.u32 s2, s1  }
0x184: {  	s3 =	rddreg [dreg:$0xc];
	s1 =	sshra.s32 s1, $0x2  }
0x185: {  	s2 =	sadd.s32 s3, s16;
	s1 =	sor.u32 $0x1000, s1  }
0x186: {  	s3 =	simm.s32 $0x80;
	s11 =	sadd.s32 $0x0, s2;
	s10 =	sadd.s32 $0x200, s1  }
.LBB2_33:
0x187: {  	[hbm4b:s11+s4] =	stream.linear.scatter [tilespmem:s1], [sflag:$0x2], $0x80, $0x38;
	[tilespmem:$0x13000] =	vst v63  }
0x188: {  	s11 =	smov.u32 s3;
	s1 =	smov.u32 s10;
	p0 =	sne.s32 s3, $0x4780  }
.Ltmp20:
0x189: {  	s3 =	sadd.s32 $0x80, s3;
	(pc) =	sbr.rel @p0 .LBB2_33-.Ltmp20, $2  }
0x18a: {  	_ =	sdelay $0x2  }
0x18b: {  	s10 =	sadd.s32 $0x200, s10;
	s11 =	sadd.s32 s11, s2  }
0x18c: {  	[hbm4b:s11+s4] =	stream.linear.scatter [tilespmem:s1], [sflag:$0x2], $0x80, $0x38;
	[tilespmem:$0x13000] =	vst v63  }
.LBB2_35:
0x18d: {  	p0 =	slt.s32 s24, $0x1F;
	s1 =	smov.u32 s24;
	s14 =	sld [smem:$0x7F5]  }
0x18e: {  	s1 =	simm.s32 @!p0 $0x1F  }
0x18f: {  	s16 =	sld [smem:$0x7F5];
	s1 =	sadd.s32 $0x1, s1  }
0x190: {  	s24 =	smov.u32 @p1 s1;
	p1 =	seq.s32 s14, $0x1  }
0x191: {  	p0 =	slt.s32 s24, $0x20;
	p1 =	por !p1, !p1  }
0x192: {  	p0 =	por p1, p0;
	p1 =	seq.s32 s16, $0x1  }
.Ltmp21:
0x193: {  	_ = 	snop;
	(pc) =	sbr.rel @!p1 .LBB2_39-.Ltmp21, $4  }
0x194: {  	s1 =	simm.s32 @!p0 $0x2  }
0x195: {  	_ =	swait.ge @!p0 [sflag:s1], $0x4800  }
0x196: {  	[sflag:s1] =	ssyncset.done @!p0 $0x0  }
0x197: {  	s10 =	smul.u32 $0x48000, s25;
	[sflag:s1] =	ssyncadd.s32 @!p0 $0xFFFFB800  }
0x198: {  	s1 =	rddreg [dreg:$0xb]  }
0x199: {  	s1 =	sadd.s32 s9, s1  }
0x19a: {  	s1 =	sshrl.u32 s1, $0x2  }
0x19b: {  	s2 =	sand.u32 $0x3, s9;
	s1 =	smul.u32 $0x48000, s1  }
0x19c: {  	s2 =	sshll.u32 s2, $0x9  }
0x19d: {  	s16 =	rddreg [dreg:$0x2];
	s3 =	sshrl.u32 s10, $0x3;
	s1 =	sor.u32 s2, s1  }
0x19e: {  	s2 =	sadd.s32 s16, s3;
	s1 =	sshra.s32 s1, $0x2  }
0x19f: {  	s2 =	sadd.s32 $0x4800, s2;
	s1 =	sor.u32 $0x1000, s1  }
0x1a0: {  	s3 =	simm.s32 $0x80;
	s11 =	sadd.s32 $0x0, s2;
	s9 =	sadd.s32 $0x200, s1  }
.LBB2_37:
0x1a1: {  	[hbm4b:s11+s4] =	stream.linear.scatter [tilespmem:s1], [sflag:$0x2], $0x80, $0x38;
	[tilespmem:$0x13000] =	vst v63  }
0x1a2: {  	s11 =	smov.u32 s3;
	s1 =	smov.u32 s9;
	p0 =	sne.s32 s3, $0x4780  }
.Ltmp22:
0x1a3: {  	s3 =	sadd.s32 $0x80, s3;
	(pc) =	sbr.rel @p0 .LBB2_37-.Ltmp22, $2  }
0x1a4: {  	_ =	sdelay $0x2  }
0x1a5: {  	s9 =	sadd.s32 $0x200, s9;
	s11 =	sadd.s32 s11, s2  }
0x1a6: {  	[hbm4b:s11+s4] =	stream.linear.scatter [tilespmem:s1], [sflag:$0x2], $0x80, $0x38;
	[tilespmem:$0x13000] =	vst v63  }
.LBB2_39:
0x1a7: {  	p0 =	slt.s32 s24, $0x1F;
	s1 =	smov.u32 s24;
	s14 =	sld [smem:$0x7F3]  }
0x1a8: {  	s1 =	simm.s32 @!p0 $0x1F  }
0x1a9: {  	s16 =	sld [smem:$0x7F3];
	s1 =	sadd.s32 $0x1, s1  }
0x1aa: {  	s24 =	smov.u32 @p1 s1;
	p1 =	seq.s32 s14, $0x1  }
0x1ab: {  	p0 =	slt.s32 s24, $0x20;
	p1 =	por !p1, !p1  }
0x1ac: {  	p0 =	por p1, p0;
	p1 =	seq.s32 s16, $0x1  }
.Ltmp23:
0x1ad: {  	_ = 	snop;
	(pc) =	sbr.rel @!p1 .LBB2_43-.Ltmp23, $4  }
0x1ae: {  	s1 =	simm.s32 @!p0 $0x2  }
0x1af: {  	_ =	swait.ge @!p0 [sflag:s1], $0x4800  }
0x1b0: {  	[sflag:s1] =	ssyncset.done @!p0 $0x0  }
0x1b1: {  	[sflag:s1] =	ssyncadd.s32 @!p0 $0xFFFFB800  }
0x1b2: {  	s1 =	rddreg [dreg:$0xb]  }
0x1b3: {  	s1 =	sadd.s32 s8, s1  }
0x1b4: {  	s1 =	sshrl.u32 s1, $0x2  }
0x1b5: {  	s2 =	sand.u32 $0x3, s8;
	s1 =	smul.u32 $0x48000, s1  }
0x1b6: {  	s2 =	sshll.u32 s2, $0x9  }
0x1b7: {  	s3 =	sshrl.u32 s10, $0x3;
	s16 =	rddreg [dreg:$0x2];
	s1 =	sor.u32 s2, s1  }
0x1b8: {  	s2 =	sadd.s32 s16, s3;
	s1 =	sshra.s32 s1, $0x2  }
0x1b9: {  	s2 =	sadd.s32 $0x4810, s2;
	s1 =	sor.u32 $0x1000, s1  }
0x1ba: {  	s3 =	simm.s32 $0x80;
	s9 =	sadd.s32 $0x0, s2;
	s8 =	sadd.s32 $0x200, s1  }
.LBB2_41:
0x1bb: {  	[hbm4b:s9+s4] =	stream.linear.scatter [tilespmem:s1], [sflag:$0x2], $0x80, $0x38;
	[tilespmem:$0x13000] =	vst v63  }
0x1bc: {  	s9 =	smov.u32 s3;
	s1 =	smov.u32 s8;
	p0 =	sne.s32 s3, $0x4780  }
.Ltmp24:
0x1bd: {  	s3 =	sadd.s32 $0x80, s3;
	(pc) =	sbr.rel @p0 .LBB2_41-.Ltmp24, $2  }
0x1be: {  	_ =	sdelay $0x2  }
0x1bf: {  	s8 =	sadd.s32 $0x200, s8;
	s9 =	sadd.s32 s9, s2  }
0x1c0: {  	[hbm4b:s9+s4] =	stream.linear.scatter [tilespmem:s1], [sflag:$0x2], $0x80, $0x38;
	[tilespmem:$0x13000] =	vst v63  }
.LBB2_43:
0x1c1: {  	p0 =	slt.s32 s24, $0x1F;
	s1 =	smov.u32 s24;
	s14 =	sld [smem:$0x7F2]  }
0x1c2: {  	s1 =	simm.s32 @!p0 $0x1F  }
0x1c3: {  	s16 =	sld [smem:$0x7F2];
	s1 =	sadd.s32 $0x1, s1  }
0x1c4: {  	s24 =	smov.u32 @p1 s1;
	p1 =	seq.s32 s14, $0x1  }
0x1c5: {  	p0 =	slt.s32 s24, $0x20;
	p1 =	por !p1, !p1  }
0x1c6: {  	p0 =	por p1, p0;
	p1 =	seq.s32 s16, $0x1  }
.Ltmp25:
0x1c7: {  	_ = 	snop;
	(pc) =	sbr.rel @!p1 .LBB2_47-.Ltmp25, $4  }
0x1c8: {  	s1 =	simm.s32 @!p0 $0x2  }
0x1c9: {  	_ =	swait.ge @!p0 [sflag:s1], $0x4800  }
0x1ca: {  	[sflag:s1] =	ssyncset.done @!p0 $0x0  }
0x1cb: {  	[sflag:s1] =	ssyncadd.s32 @!p0 $0xFFFFB800  }
0x1cc: {  	s1 =	rddreg [dreg:$0xb]  }
0x1cd: {  	s1 =	sadd.s32 s0, s1  }
0x1ce: {  	s1 =	sshrl.u32 s1, $0x2  }
0x1cf: {  	s13 =	sand.u32 $0x3, s0;
	s1 =	smul.u32 $0x48000, s1  }
0x1d0: {  	s0 =	sshll.u32 s13, $0x9  }
0x1d1: {  	s2 =	sshrl.u32 s10, $0x3;
	s14 =	rddreg [dreg:$0x2];
	s0 =	sor.u32 s0, s1  }
0x1d2: {  	s1 =	sadd.s32 s14, s2;
	s16 =	sshra.s32 s0, $0x2  }
0x1d3: {  	s0 =	sadd.s32 $0x4820, s1;
	s1 =	sor.u32 $0x1000, s16  }
0x1d4: {  	s2 =	simm.s32 $0x80;
	s8 =	sadd.s32 $0x0, s0;
	s3 =	sadd.s32 $0x200, s1  }
.LBB2_45:
0x1d5: {  	[hbm4b:s8+s4] =	stream.linear.scatter [tilespmem:s1], [sflag:$0x2], $0x80, $0x38;
	[tilespmem:$0x13000] =	vst v63  }
0x1d6: {  	s8 =	smov.u32 s2;
	s1 =	smov.u32 s3;
	p0 =	sne.s32 s2, $0x4780  }
.Ltmp26:
0x1d7: {  	s2 =	sadd.s32 $0x80, s2;
	(pc) =	sbr.rel @p0 .LBB2_45-.Ltmp26, $2  }
0x1d8: {  	_ =	sdelay $0x2  }
0x1d9: {  	s3 =	sadd.s32 $0x200, s3;
	s8 =	sadd.s32 s8, s0  }
0x1da: {  	[hbm4b:s8+s4] =	stream.linear.scatter [tilespmem:s1], [sflag:$0x2], $0x80, $0x38;
	[tilespmem:$0x13000] =	vst v63  }
.LBB2_47:
0x1db: {  	p0 =	slt.s32 s24, $0x1F;
	s0 =	smov.u32 s24  }
0x1dc: {  	s0 =	simm.s32 @!p0 $0x1F  }
0x1dd: {  	s0 =	sadd.s32 $0x1, s0  }
0x1de: {  	s24 =	smov.u32 @p1 s0  }
0x1df: {  	p1 =	por !p6, !p6;
	p0 =	slt.s32 s24, $0x20  }
.Ltmp27:
0x1e0: {  	p0 =	por p1, p0;
	(pc) =	sbr.rel @!p6 .LBB2_51-.Ltmp27, $4  }
0x1e1: {  	s0 =	simm.s32 @!p0 $0x2  }
0x1e2: {  	_ =	swait.ge @!p0 [sflag:s0], $0x4800  }
0x1e3: {  	[sflag:s0] =	ssyncset.done @!p0 $0x0  }
0x1e4: {  	[sflag:s0] =	ssyncadd.s32 @!p0 $0xFFFFB800  }
0x1e5: {  	s0 =	rddreg [dreg:$0xb]  }
0x1e6: {  	s0 =	sadd.s32 s31, s0  }
0x1e7: {  	s0 =	sshrl.u32 s0, $0x2  }
0x1e8: {  	s1 =	sand.u32 $0x3, s31;
	s0 =	smul.u32 $0x48000, s0  }
0x1e9: {  	s1 =	sshll.u32 s1, $0x9  }
0x1ea: {  	s2 =	sshrl.u32 s10, $0x3;
	s16 =	rddreg [dreg:$0x2];
	s0 =	sor.u32 s1, s0  }
0x1eb: {  	s1 =	sadd.s32 s16, s2;
	s31 =	sshra.s32 s0, $0x2  }
0x1ec: {  	s0 =	sadd.s32 $0x4830, s1;
	s1 =	sor.u32 $0x1000, s31  }
0x1ed: {  	s2 =	simm.s32 $0x80;
	s8 =	sadd.s32 $0x0, s0;
	s3 =	sadd.s32 $0x200, s1  }
.LBB2_49:
0x1ee: {  	[hbm4b:s8+s4] =	stream.linear.scatter [tilespmem:s1], [sflag:$0x2], $0x80, $0x38;
	[tilespmem:$0x13000] =	vst v63  }
0x1ef: {  	s8 =	smov.u32 s2;
	s1 =	smov.u32 s3;
	p0 =	sne.s32 s2, $0x4780  }
.Ltmp28:
0x1f0: {  	s2 =	sadd.s32 $0x80, s2;
	(pc) =	sbr.rel @p0 .LBB2_49-.Ltmp28, $2  }
0x1f1: {  	_ =	sdelay $0x2  }
0x1f2: {  	s3 =	sadd.s32 $0x200, s3;
	s8 =	sadd.s32 s8, s0  }
0x1f3: {  	[hbm4b:s8+s4] =	stream.linear.scatter [tilespmem:s1], [sflag:$0x2], $0x80, $0x38;
	[tilespmem:$0x13000] =	vst v63  }
.LBB2_51:
0x1f4: {  	p0 =	slt.s32 s24, $0x1F;
	s0 =	smov.u32 s24  }
0x1f5: {  	s0 =	simm.s32 @!p0 $0x1F  }
0x1f6: {  	s0 =	sadd.s32 $0x1, s0  }
0x1f7: {  	s24 =	smov.u32 @p6 s0  }
0x1f8: {  	p1 =	por !p5, !p5;
	p6 =	slt.s32 s24, $0x20  }
.Ltmp29:
0x1f9: {  	p0 =	por p1, p6;
	(pc) =	sbr.rel @!p5 .LBB2_55-.Ltmp29, $4  }
0x1fa: {  	s0 =	simm.s32 @!p0 $0x2  }
0x1fb: {  	_ =	swait.ge @!p0 [sflag:s0], $0x4800  }
0x1fc: {  	[sflag:s0] =	ssyncset.done @!p0 $0x0  }
0x1fd: {  	[sflag:s0] =	ssyncadd.s32 @!p0 $0xFFFFB800  }
0x1fe: {  	s0 =	rddreg [dreg:$0xb]  }
0x1ff: {  	s0 =	sadd.s32 s30, s0  }
0x200: {  	s0 =	sshrl.u32 s0, $0x2  }
0x201: {  	s1 =	sand.u32 $0x3, s30;
	s0 =	smul.u32 $0x48000, s0  }
0x202: {  	s1 =	sshll.u32 s1, $0x9  }
0x203: {  	s2 =	sshrl.u32 s10, $0x3;
	s30 =	rddreg [dreg:$0x2];
	s0 =	sor.u32 s1, s0  }
0x204: {  	s1 =	sadd.s32 s30, s2;
	s31 =	sshra.s32 s0, $0x2  }
0x205: {  	s0 =	sadd.s32 $0x4840, s1;
	s1 =	sor.u32 $0x1000, s31  }
0x206: {  	s2 =	simm.s32 $0x80;
	s8 =	sadd.s32 $0x0, s0;
	s3 =	sadd.s32 $0x200, s1  }
.LBB2_53:
0x207: {  	[hbm4b:s8+s4] =	stream.linear.scatter [tilespmem:s1], [sflag:$0x2], $0x80, $0x38;
	[tilespmem:$0x13000] =	vst v63  }
0x208: {  	s8 =	smov.u32 s2;
	s1 =	smov.u32 s3;
	p0 =	sne.s32 s2, $0x4780  }
.Ltmp30:
0x209: {  	s2 =	sadd.s32 $0x80, s2;
	(pc) =	sbr.rel @p0 .LBB2_53-.Ltmp30, $2  }
0x20a: {  	_ =	sdelay $0x2  }
0x20b: {  	s3 =	sadd.s32 $0x200, s3;
	s8 =	sadd.s32 s8, s0  }
0x20c: {  	[hbm4b:s8+s4] =	stream.linear.scatter [tilespmem:s1], [sflag:$0x2], $0x80, $0x38;
	[tilespmem:$0x13000] =	vst v63  }
.LBB2_55:
0x20d: {  	p0 =	slt.s32 s24, $0x1F;
	s0 =	smov.u32 s24  }
0x20e: {  	s0 =	simm.s32 @!p0 $0x1F  }
0x20f: {  	s0 =	sadd.s32 $0x1, s0  }
0x210: {  	s24 =	smov.u32 @p5 s0  }
0x211: {  	p1 =	por !p4, !p4;
	p6 =	slt.s32 s24, $0x20  }
.Ltmp31:
0x212: {  	p0 =	por p1, p6;
	(pc) =	sbr.rel @!p4 .LBB2_59-.Ltmp31, $4  }
0x213: {  	s0 =	simm.s32 @!p0 $0x2  }
0x214: {  	_ =	swait.ge @!p0 [sflag:s0], $0x4800  }
0x215: {  	[sflag:s0] =	ssyncset.done @!p0 $0x0  }
0x216: {  	[sflag:s0] =	ssyncadd.s32 @!p0 $0xFFFFB800  }
0x217: {  	s0 =	rddreg [dreg:$0xb]  }
0x218: {  	s0 =	sadd.s32 s29, s0  }
0x219: {  	s0 =	sshrl.u32 s0, $0x2  }
0x21a: {  	s1 =	sand.u32 $0x3, s29;
	s0 =	smul.u32 $0x48000, s0  }
0x21b: {  	s1 =	sshll.u32 s1, $0x9  }
0x21c: {  	s2 =	sshrl.u32 s10, $0x3;
	s30 =	rddreg [dreg:$0x2];
	s0 =	sor.u32 s1, s0  }
0x21d: {  	s1 =	sadd.s32 s30, s2;
	s31 =	sshra.s32 s0, $0x2  }
0x21e: {  	s0 =	sadd.s32 $0x4850, s1;
	s1 =	sor.u32 $0x1000, s31  }
0x21f: {  	s2 =	simm.s32 $0x80;
	s8 =	sadd.s32 $0x0, s0;
	s3 =	sadd.s32 $0x200, s1  }
.LBB2_57:
0x220: {  	[hbm4b:s8+s4] =	stream.linear.scatter [tilespmem:s1], [sflag:$0x2], $0x80, $0x38;
	[tilespmem:$0x13000] =	vst v63  }
0x221: {  	s8 =	smov.u32 s2;
	s1 =	smov.u32 s3;
	p0 =	sne.s32 s2, $0x4780  }
.Ltmp32:
0x222: {  	s2 =	sadd.s32 $0x80, s2;
	(pc) =	sbr.rel @p0 .LBB2_57-.Ltmp32, $2  }
0x223: {  	_ =	sdelay $0x2  }
0x224: {  	s3 =	sadd.s32 $0x200, s3;
	s8 =	sadd.s32 s8, s0  }
0x225: {  	[hbm4b:s8+s4] =	stream.linear.scatter [tilespmem:s1], [sflag:$0x2], $0x80, $0x38;
	[tilespmem:$0x13000] =	vst v63  }
.LBB2_59:
0x226: {  	p0 =	slt.s32 s24, $0x1F;
	s0 =	smov.u32 s24  }
0x227: {  	s0 =	simm.s32 @!p0 $0x1F  }
0x228: {  	s0 =	sadd.s32 $0x1, s0  }
0x229: {  	s24 =	smov.u32 @p4 s0  }
0x22a: {  	p1 =	por !p3, !p3;
	p6 =	slt.s32 s24, $0x20  }
.Ltmp33:
0x22b: {  	p0 =	por p1, p6;
	(pc) =	sbr.rel @!p3 .LBB2_63-.Ltmp33, $4  }
0x22c: {  	s0 =	simm.s32 @!p0 $0x2  }
0x22d: {  	_ =	swait.ge @!p0 [sflag:s0], $0x4800  }
0x22e: {  	[sflag:s0] =	ssyncset.done @!p0 $0x0  }
0x22f: {  	[sflag:s0] =	ssyncadd.s32 @!p0 $0xFFFFB800  }
0x230: {  	s0 =	rddreg [dreg:$0xb]  }
0x231: {  	s0 =	sadd.s32 s28, s0  }
0x232: {  	s0 =	sshrl.u32 s0, $0x2  }
0x233: {  	s1 =	sand.u32 $0x3, s28;
	s0 =	smul.u32 $0x48000, s0  }
0x234: {  	s1 =	sshll.u32 s1, $0x9  }
0x235: {  	s2 =	sshrl.u32 s10, $0x3;
	s30 =	rddreg [dreg:$0x2];
	s0 =	sor.u32 s1, s0  }
0x236: {  	s1 =	sadd.s32 s30, s2;
	s31 =	sshra.s32 s0, $0x2  }
0x237: {  	s0 =	sadd.s32 $0x4860, s1;
	s1 =	sor.u32 $0x1000, s31  }
0x238: {  	s2 =	simm.s32 $0x80;
	s8 =	sadd.s32 $0x0, s0;
	s3 =	sadd.s32 $0x200, s1  }
.LBB2_61:
0x239: {  	[hbm4b:s8+s4] =	stream.linear.scatter [tilespmem:s1], [sflag:$0x2], $0x80, $0x38;
	[tilespmem:$0x13000] =	vst v63  }
0x23a: {  	s8 =	smov.u32 s2;
	s1 =	smov.u32 s3;
	p0 =	sne.s32 s2, $0x4780  }
.Ltmp34:
0x23b: {  	s2 =	sadd.s32 $0x80, s2;
	(pc) =	sbr.rel @p0 .LBB2_61-.Ltmp34, $2  }
0x23c: {  	_ =	sdelay $0x2  }
0x23d: {  	s3 =	sadd.s32 $0x200, s3;
	s8 =	sadd.s32 s8, s0  }
0x23e: {  	[hbm4b:s8+s4] =	stream.linear.scatter [tilespmem:s1], [sflag:$0x2], $0x80, $0x38;
	[tilespmem:$0x13000] =	vst v63  }
.LBB2_63:
0x23f: {  	p0 =	slt.s32 s24, $0x1F;
	s0 =	smov.u32 s24  }
0x240: {  	s0 =	simm.s32 @!p0 $0x1F  }
0x241: {  	s0 =	sadd.s32 $0x1, s0  }
0x242: {  	s24 =	smov.u32 @p3 s0  }
0x243: {  	p1 =	por !p2, !p2;
	p6 =	slt.s32 s24, $0x20  }
.Ltmp35:
0x244: {  	p0 =	por p1, p6;
	(pc) =	sbr.rel @!p2 .LBB2_67-.Ltmp35, $4  }
0x245: {  	s0 =	simm.s32 @!p0 $0x2  }
0x246: {  	_ =	swait.ge @!p0 [sflag:s0], $0x4800  }
0x247: {  	[sflag:s0] =	ssyncset.done @!p0 $0x0  }
0x248: {  	[sflag:s0] =	ssyncadd.s32 @!p0 $0xFFFFB800  }
0x249: {  	s0 =	rddreg [dreg:$0xb]  }
0x24a: {  	s0 =	sadd.s32 s26, s0  }
0x24b: {  	s0 =	sshrl.u32 s0, $0x2  }
0x24c: {  	s1 =	sand.u32 $0x3, s26;
	s0 =	smul.u32 $0x48000, s0  }
0x24d: {  	s1 =	sshll.u32 s1, $0x9  }
0x24e: {  	s2 =	sshrl.u32 s10, $0x3;
	s30 =	rddreg [dreg:$0x2];
	s0 =	sor.u32 s1, s0  }
0x24f: {  	s1 =	sadd.s32 s30, s2;
	s31 =	sshra.s32 s0, $0x2  }
0x250: {  	s0 =	sadd.s32 $0x4870, s1;
	s1 =	sor.u32 $0x1000, s31  }
0x251: {  	s2 =	simm.s32 $0x80;
	s8 =	sadd.s32 $0x0, s0;
	s3 =	sadd.s32 $0x200, s1  }
.LBB2_65:
0x252: {  	[hbm4b:s8+s4] =	stream.linear.scatter [tilespmem:s1], [sflag:$0x2], $0x80, $0x38;
	[tilespmem:$0x13000] =	vst v63  }
0x253: {  	s8 =	smov.u32 s2;
	s1 =	smov.u32 s3;
	p0 =	sne.s32 s2, $0x4780  }
.Ltmp36:
0x254: {  	s2 =	sadd.s32 $0x80, s2;
	(pc) =	sbr.rel @p0 .LBB2_65-.Ltmp36, $2  }
0x255: {  	_ =	sdelay $0x2  }
0x256: {  	s3 =	sadd.s32 $0x200, s3;
	s8 =	sadd.s32 s8, s0  }
0x257: {  	[hbm4b:s8+s4] =	stream.linear.scatter [tilespmem:s1], [sflag:$0x2], $0x80, $0x38;
	[tilespmem:$0x13000] =	vst v63  }
.LBB2_67:
.Ltmp37:
0x258: {  	(pc) =	sbr.rel .LBB2_68-.Ltmp37, $4  }
0x259: {  	p0 =	slt.s32 s24, $0x1F;
	s0 =	smov.u32 s24  }
0x25a: {  	s0 =	simm.s32 @!p0 $0x1F  }
0x25b: {  	s0 =	sadd.s32 $0x1, s0  }
0x25c: {  	s1 =	rddreg [dreg:$0x4];
	s24 =	smov.u32 @p2 s0  }
.LBB2_69:
0x25d: {  	p0 =	sgt.s32 s24, $0x0  }
.Ltmp38:
0x25e: {  	_ = 	snop;
	(pc) =	sbr.rel @!p0 .LBB2_73-.Ltmp38, $1  }
0x25f: {  	_ =	sdelay $0x3  }
0x260: {  	p0 =	sne.s32 s24, $0x1  }
.Ltmp39:
0x261: {  	_ = 	snop;
	(pc) =	sbr.rel @!p0 .LBB2_72-.Ltmp39, $3  }
0x262: {  	_ =	sdelay $0x1  }
0x263: {  	_ =	swait.ge [sflag:s22], $0x4800  }
0x264: {  	s0 =	sadd.s32 $0xFFFFFFFF, s24;
	[sflag:s22] =	ssyncset.done $0x0  }
.LBB2_71:
0x265: {  	p0 =	sne.s32 s0, $0x1;
	s0 =	sadd.s32 $0xFFFFFFFF, s0;
	[sflag:s22] =	ssyncadd.s32 $0xFFFFB800  }
.Ltmp40:
0x266: {  	(pc) =	sbr.rel @p0 .LBB2_71-.Ltmp40, $3  }
0x267: {  	_ =	sdelay $0x1  }
0x268: {  	_ =	swait.ge [sflag:s22], $0x4800  }
0x269: {  	[sflag:s22] =	ssyncset.done $0x0  }
.Ltmp41:
0x26a: {  	_ = 	snop;
	(pc) =	sbr.rel .LBB2_72-.Ltmp41, $1  }
0x26b: {  	_ =	sdelay $0x3  }
.LBB2_74:
0x26c: {  	_ =	sfence.sel $0x180000  }
0x26d: {  	[bflag:$0x0] =	sbarrier.arrive $0xFFFF  }
0x26e: {  	p0 =	sne.s32 s17, $0x0;
	_ =	strace $0x90000047  }
0x26f: {  	s0 =	sadd.s32 @!p0 $0x100000, s19;
	[bflag:$0x2] =	sbarrier.arrive $0xFFFF  }
0x270: {  	[sflag:s0] =	ssyncadd.tile.s32 @!p0 $0x1;
	_ =	shalt  }
.Lfunc_end2:
_tile_overlayer_lowered:
.L_overlay_start_2:
0x271: {  	(tag) =	ssettag $0x2  }
0x272: {  	s0 =	rddreg [dreg:$0x0];
	s2 =	stileid.u32  }
0x273: {  	s1 =	rddreg [dreg:$0x1];
	p0 =	sne.s32 s2, $0x0  }
0x274: {  	s3 =	rddreg [dreg:$0x2];
	[bflag:$0x3] =	sbarrier.arrive $0xFFFF;
	s2 =	simm.s32 @!p0 $0x1C03  }
0x275: {  	[timem:s3], [sflag:s2] =	dma.local @!p0 [hbm:s0], s1  }
0x276: {  	s0 =	simm.s32 @!p0 $0x3  }
0x277: {  	_ =	swait.ge @!p0 [sflag:s0], s1  }
0x278: {  	s1 =	ssub.s32 @!p0 $0x0, s1;
	[sflag:s0] =	ssyncset.done @!p0 $0x0  }
0x279: {  	[sflag:s0] =	ssyncadd.s32 @!p0 s1  }
0x27a: {  	[bflag:$0x3] =	sbarrier.arrive $0xFFFF  }
0x27b: {  	_ =	shalt  }

</sc_bundles>
